<compile_context>
chip_gen: v7x
topology: tpu7x:2x2x1
jax: 0.10.2.dev20260603
libtpu: 0.0.44.dev20260713+nightly
codegen_flags: <defaults>
</compile_context>

<pallas_src>
import functools

import jax
import jax.numpy as jnp
from jax import lax
from jax.experimental import pallas as pl
from jax.experimental.pallas import tpu as pltpu
from jax.experimental.pallas import tpu_sc as plsc

NUM_NODES = 100000
MEM_DIM = 128
B = 1024
U = 2 * B
LU_ROWS = 784
POS_BITS = 11


def _dot(a, b, precision=jax.lax.Precision.DEFAULT):
    return jax.lax.dot_general(a, b, (((1,), (0,)), ((), ())),
                               precision=precision,
                               preferred_element_type=jnp.float32)


def _dot16(a, b):
    return _dot(a.astype(jnp.bfloat16), b.astype(jnp.bfloat16))


def _tc_chain_body(rows_ref, edge_ref, ts_ref, lu_ref, kc_ref, kr_ref,
                   w1s_ref, w1d_ref, w1e_ref, b1_ref,
                   w2_ref, b2_ref, wih_ref, bih_ref, whh_ref, bhh_ref,
                   out_rows_ref, out_idx_ref, out_lu_ref):
    rows = rows_ref[...]
    src_mem = rows[:B]
    dst_mem = rows[B:]

    pre = (_dot(src_mem, w1s_ref[...]) + _dot(dst_mem, w1d_ref[...])
           + _dot(edge_ref[...], w1e_ref[...]) + b1_ref[...])
    msg = _dot(jnp.maximum(pre, 0.0), w2_ref[...]) + b2_ref[...]

    gi = _dot(msg, wih_ref[...]) + bih_ref[...]
    gi2 = jnp.concatenate([gi, gi], axis=0)
    i_r = gi2[:, :MEM_DIM]
    i_z = gi2[:, MEM_DIM:2 * MEM_DIM]
    i_n = gi2[:, 2 * MEM_DIM:]

    k_c = kc_ref[...]
    k_r = kr_ref[...]
    nodes_c = jax.lax.shift_right_logical(k_c, POS_BITS)
    nodes_r = jax.lax.shift_right_logical(k_r, POS_BITS)

    big = jnp.int32(1 << 30)
    succ = jnp.where(k_c > k_r, k_c, big)
    next_k = jnp.min(succ, axis=0, keepdims=True)
    valid = jax.lax.shift_right_logical(next_k, POS_BITS) == nodes_r
    is_last_r = jnp.logical_not(valid)
    next_m = jnp.where(valid, next_k, -1)
    route = (k_c == next_m).astype(jnp.bfloat16)
    ones_u = jnp.ones((U, 1), jnp.bfloat16)
    incoming = _dot(route, ones_u)

    eq = nodes_c == nodes_r
    cnt = jnp.sum(eq.astype(jnp.int32), axis=0)
    rounds = jnp.max(cnt)

    whh = whh_ref[...].astype(jnp.bfloat16)
    bhh = bhh_ref[...]

    def gru(h):
        gh = _dot(h.astype(jnp.bfloat16), whh) + bhh
        h_r = gh[:, :MEM_DIM]
        h_z = gh[:, MEM_DIM:2 * MEM_DIM]
        h_n = gh[:, 2 * MEM_DIM:]
        r = jax.nn.sigmoid(i_r + h_r)
        z = jax.nn.sigmoid(i_z + h_z)
        n = jnp.tanh(i_n + r * h_n)
        return (1.0 - z) * n + z * h

    def body(_, h):
        g = gru(h)
        return _dot16(route, g) + (1.0 - incoming) * h

    h = lax.fori_loop(0, rounds - 1, body, rows)
    g = gru(h)
    out_rows_ref[...] = g
    out_idx_ref[...] = jnp.where(is_last_r, nodes_r, -1)

    off = jnp.float32(2048.0)
    lane = lax.broadcasted_iota(jnp.int32, (1, MEM_DIM), 1)
    lane_oh = (lane == (nodes_c % MEM_DIM)).astype(jnp.float32)
    rowid = lax.broadcasted_iota(jnp.int32, (LU_ROWS, 1), 0)
    q_row = nodes_r // MEM_DIM
    rowpick = jnp.where((rowid == q_row) & is_last_r, 1.0, 0.0)
    marked = _dot(rowpick, lane_oh * (ts_ref[...] + off),
                  precision=jax.lax.Precision.HIGHEST)
    out_lu_ref[...] = jnp.where(marked > off - 1.0, marked - off, lu_ref[...])


def _tc_chain(rows, edge_p, ts_col, lu2d, k_c, k_r,
              w1s, w1d, w1e, b1, w2, b2, wih, bih, whh, bhh):
    return pl.pallas_call(
        _tc_chain_body,
        out_shape=(jax.ShapeDtypeStruct((U, MEM_DIM), jnp.float32),
                   jax.ShapeDtypeStruct((1, U), jnp.int32),
                   jax.ShapeDtypeStruct((LU_ROWS, MEM_DIM), jnp.float32)),
    )(rows, edge_p, ts_col, lu2d, k_c, k_r,
      w1s, w1d, w1e, b1, w2, b2, wih, bih, whh, bhh)


@functools.lru_cache(maxsize=None)
def _sc_kernels():
    mesh = plsc.VectorSubcoreMesh(core_axis_name="c", subcore_axis_name="s")
    nc = mesh.num_cores
    nw = nc * mesh.num_subcores
    bpw = U // nw

    def _wid():
        return lax.axis_index("s") * nc + lax.axis_index("c")

    @functools.partial(
        pl.kernel, mesh=mesh,
        out_type=jax.ShapeDtypeStruct((U, MEM_DIM), jnp.float32),
        scratch_types=[pltpu.VMEM((bpw,), jnp.int32),
                       pltpu.VMEM((bpw, MEM_DIM), jnp.float32),
                       pltpu.SemaphoreType.DMA],
    )
    def gather_k(table_hbm, idx_hbm, out_hbm, idx_v, rows_v, sem):
        base = _wid() * bpw
        pltpu.sync_copy(idx_hbm.at[pl.ds(base, bpw)], idx_v)
        pltpu.async_copy(table_hbm.at[idx_v], rows_v, sem).wait()
        pltpu.sync_copy(rows_v, out_hbm.at[pl.ds(base, bpw)])

    rng = 3128
    last_rng = NUM_NODES - (nw - 1) * rng
    ch = 392

    def _copy_range(src_hbm, out_hbm, base, size, bufs, sem_i, sem_o):
        sizes = []
        off = 0
        while off < size:
            c = min(ch, size - off)
            sizes.append((off, c))
            off += c
        n = len(sizes)
        ins = [None] * n
        outs = [None] * n

        def start_in(k):
            off, c = sizes[k]
            return pltpu.async_copy(src_hbm.at[pl.ds(base + off, c)],
                                    bufs[k % 2].at[pl.ds(0, c)], sem_i[k % 2])

        ins[0] = start_in(0)
        for k in range(n):
            off, c = sizes[k]
            ins[k].wait()
            outs[k] = pltpu.async_copy(bufs[k % 2].at[pl.ds(0, c)],
                                       out_hbm.at[pl.ds(base + off, c)],
                                       sem_o[k % 2])
            if k + 1 < n:
                if k - 1 >= 0:
                    outs[k - 1].wait()
                ins[k + 1] = start_in(k + 1)
        if n >= 2:
            outs[n - 2].wait()
        outs[n - 1].wait()

    @functools.partial(
        pl.kernel, mesh=mesh,
        out_type=jax.ShapeDtypeStruct((NUM_NODES, MEM_DIM), jnp.float32),
        scratch_types=[pltpu.VMEM((ch, MEM_DIM), jnp.float32),
                       pltpu.VMEM((ch, MEM_DIM), jnp.float32),
                       pltpu.SemaphoreType.DMA, pltpu.SemaphoreType.DMA,
                       pltpu.SemaphoreType.DMA, pltpu.SemaphoreType.DMA],
    )
    def copy_k(src_hbm, out_hbm, buf_a, buf_b, si0, si1, so0, so1):
        wid = _wid()
        base = pl.multiple_of(wid * rng, 8)

        @pl.when(wid < nw - 1)
        def _():
            _copy_range(src_hbm, out_hbm, base, rng,
                        (buf_a, buf_b), (si0, si1), (so0, so1))

        @pl.when(wid == nw - 1)
        def _():
            _copy_range(src_hbm, out_hbm, base, last_rng,
                        (buf_a, buf_b), (si0, si1), (so0, so1))

    @functools.partial(
        pl.kernel, mesh=mesh,
        out_type=(),
        scratch_types=[pltpu.VMEM((bpw,), jnp.int32),
                       pltpu.VMEM((bpw, MEM_DIM), jnp.float32),
                       pltpu.SemaphoreType.DMA],
    )
    def scatter_k(mem_hbm, idx_hbm, rows_hbm, idx_v, rows_v, sem):
        base = _wid() * bpw
        pltpu.sync_copy(idx_hbm.at[pl.ds(base, bpw)], idx_v)
        pltpu.sync_copy(rows_hbm.at[pl.ds(base, bpw)], rows_v)
        pltpu.async_copy(
            rows_v, mem_hbm.at[plsc.Indices(idx_v, ignored_value=-1)], sem
        ).wait()

    return gather_k, copy_k, scatter_k


def kernel(src_nodes, dst_nodes, edge_feat, timestamps, memory, last_update,
           W1, b1, W2, b2, W_ih, W_hh, b_ih, b_hh):
    gather_k, copy_k, scatter_k = _sc_kernels()

    nodes = jnp.concatenate([src_nodes, dst_nodes]).astype(jnp.int32)
    i = jnp.arange(B, dtype=jnp.int32)
    pos = jnp.concatenate([2 * i, 2 * i + 1])
    keys = nodes * (1 << POS_BITS) + pos
    ts_col = jnp.tile(timestamps.astype(jnp.float32), 2).reshape(U, 1)

    edge_p = jnp.zeros((B, MEM_DIM), jnp.float32).at[:, :3].set(edge_feat)
    w1e = jnp.zeros((MEM_DIM, W1.shape[1]), jnp.float32).at[:3, :].set(W1[2 * MEM_DIM:])
    w1s = W1[:MEM_DIM]
    w1d = W1[MEM_DIM:2 * MEM_DIM]

    lu2d = jnp.zeros((LU_ROWS * MEM_DIM,), jnp.float32)
    lu2d = lu2d.at[:NUM_NODES].set(last_update.astype(jnp.float32))
    lu2d = lu2d.reshape(LU_ROWS, MEM_DIM)

    mem_copy = copy_k(memory)
    rows = gather_k(memory, nodes)

    out_rows, out_idx, out_lu = _tc_chain(
        rows, edge_p, ts_col, lu2d, keys.reshape(U, 1), keys.reshape(1, U),
        w1s, w1d, w1e, b1.reshape(1, -1), W2, b2.reshape(1, -1),
        W_ih, b_ih.reshape(1, -1), W_hh, b_hh.reshape(1, -1))

    mem_ref = jax.new_ref(mem_copy)
    scatter_k(mem_ref, out_idx.reshape(U), out_rows)
    return mem_ref[...], out_lu.reshape(-1)[:NUM_NODES]

# --- scband reference (transcript-rebuilt; emitter-appended) ---
"""Pipeline reference for scband-source-based-tgnmemory-13769665151521 (READ-ONLY COPY).

The authoritative reference and input builder live on the scoring server;
editing this copy changes nothing except your own understanding.
"""

import jax, jax.numpy as jnp
import numpy as np

NUM_NODES = 100000
MEM_DIM = 128
MSG_DIM = 128
B = 1024


def setup_inputs(seed: int = 0) -> dict:
    key = jax.random.key(seed)
    ks = jax.random.split(key, 12)
    return {
        "src_nodes": jax.random.randint(ks[0], (B,), 0, NUM_NODES),
        "dst_nodes": jax.random.randint(ks[1], (B,), 0, NUM_NODES),
        "edge_feat": jax.random.normal(ks[2], (B, 3), dtype=jnp.float32),
        "timestamps": jax.random.uniform(ks[3], (B,), dtype=jnp.float32) * 1000.0,
        "memory": jax.random.normal(ks[4], (NUM_NODES, MEM_DIM), dtype=jnp.float32) * 0.1,
        "last_update": jnp.zeros((NUM_NODES,), dtype=jnp.float32),
        "W1": jax.random.normal(ks[5], (2 * MEM_DIM + 3, MSG_DIM), dtype=jnp.float32) * 0.05,
        "b1": jnp.zeros((MSG_DIM,), dtype=jnp.float32),
        "W2": jax.random.normal(ks[6], (MSG_DIM, MSG_DIM), dtype=jnp.float32) * 0.05,
        "b2": jnp.zeros((MSG_DIM,), dtype=jnp.float32),
        "W_ih": jax.random.normal(ks[7], (MSG_DIM, 3 * MEM_DIM), dtype=jnp.float32) * 0.05,
        "W_hh": jax.random.normal(ks[8], (MEM_DIM, 3 * MEM_DIM), dtype=jnp.float32) * 0.05,
        "b_ih": jnp.zeros((3 * MEM_DIM,), dtype=jnp.float32),
        "b_hh": jnp.zeros((3 * MEM_DIM,), dtype=jnp.float32),
    }


def _gru_cell(x, h, W_ih, W_hh, b_ih, b_hh):
    # torch.nn.GRUCell semantics
    gi = x @ W_ih + b_ih
    gh = h @ W_hh + b_hh
    i_r, i_z, i_n = jnp.split(gi, 3, axis=-1)
    h_r, h_z, h_n = jnp.split(gh, 3, axis=-1)
    r = jax.nn.sigmoid(i_r + h_r)
    z = jax.nn.sigmoid(i_z + h_z)
    n = jnp.tanh(i_n + r * h_n)
    return (1.0 - z) * n + z * h


def reference(src_nodes, dst_nodes, edge_feat, timestamps, memory, last_update, W1, b1, W2, b2, W_ih, W_hh, b_ih, b_hh):
    # memory is a non-trainable parameter in the original module (requires_grad=False)
    mem0 = jax.lax.stop_gradient(memory)
    # messages computed once from the initial memory state (as in the torch forward)
    src_mem = mem0[src_nodes]
    dst_mem = mem0[dst_nodes]
    h = jnp.concatenate([src_mem, dst_mem, edge_feat], axis=1)
    messages = jax.nn.relu(h @ W1 + b1) @ W2 + b2

    def step(carry, inp):
        mem, lu = carry
        s, d, msg, ts = inp
        prev_s = jax.lax.stop_gradient(mem[s])  # .detach() in torch
        upd_s = _gru_cell(msg, prev_s, W_ih, W_hh, b_ih, b_hh)
        mem = mem.at[s].set(upd_s)
        lu = lu.at[s].set(ts)
        prev_d = jax.lax.stop_gradient(mem[d])
        upd_d = _gru_cell(msg, prev_d, W_ih, W_hh, b_ih, b_hh)
        mem = mem.at[d].set(upd_d)
        lu = lu.at[d].set(ts)
        return (mem, lu), None

    (mem_f, lu_f), _ = jax.lax.scan(
        step, (mem0, last_update), (src_nodes, dst_nodes, messages, timestamps)
    )
    return mem_f, lu_f

if __name__ == "__main__":
    import jax
    _d = setup_inputs()
    print(jax.jit(kernel)(*tuple(_d.values())))

</pallas_src>

<mosaic_0001>
#map = affine_map<(d0, d1) -> (0, 0)>
module attributes {stable_mosaic.version = 14 : i64} {
  func.func @copy_k(%arg0: i32, %arg1: i32, %arg2: memref<100000x128xf32, #tpu.memory_space<hbm>>, %arg3: memref<100000x128xf32, #tpu.memory_space<hbm>>, %arg4: memref<392x128xf32, #tpu.memory_space<vmem>>, %arg5: memref<392x128xf32, #tpu.memory_space<vmem>>, %arg6: memref<!tpu.dma_semaphore, #tpu.memory_space<semaphore_mem>>, %arg7: memref<!tpu.dma_semaphore, #tpu.memory_space<semaphore_mem>>, %arg8: memref<!tpu.dma_semaphore, #tpu.memory_space<semaphore_mem>>, %arg9: memref<!tpu.dma_semaphore, #tpu.memory_space<semaphore_mem>>) attributes {dimension_semantics = [#tpu.dimension_semantics<core_parallel>, #tpu.dimension_semantics<subcore_parallel>], iteration_bounds = array<i64: 2, 16>, scalar_prefetch = 0 : i64, scratch_operands = 6 : i64, tpu.core_type = #tpu.core_type<sc_vector_subcore>, window_params = [{transform_indices = #map}, {transform_indices = #map}]} {
    %mul3A = arith.constant 2 : i32
    %mul3A_0 = arith.muli %arg1, %mul3A : i32
    %add3A = arith.addi %mul3A_0, %arg0 : i32
    %mul3A_1 = arith.constant 3128 : i32
    %mul3A_2 = arith.muli %add3A, %mul3A_1 : i32
    %multiple_of3A = tpu.assume_multiple %mul3A_2, 8 : i32
    %lt3A = arith.constant 31 : i32
    %lt3A_3 = arith.cmpi slt, %add3A, %lt3A : i32
    %convert_element_type3A = arith.extui %lt3A_3 : i1 to i32
    %cond3A = arith.constant 0 : i32
    %cond3A_4 = arith.cmpi ne, %convert_element_type3A, %cond3A : i32
    scf.if %cond3A_4 {
      %add3A_9 = arith.constant 0 : i32
      %add3A_10 = arith.addi %multiple_of3A, %add3A_9 : i32
      %dma_start3A = arith.constant 0 : i32
      %dma_start3A_11 = arith.constant 0 : i32
      %dma_start3A_12 = tpu.memref_slice %arg4[%dma_start3A, %dma_start3A_11] : memref<392x128xf32, #tpu.memory_space<vmem>> -> memref<392x128xf32, #tpu.memory_space<vmem>>
      %dma_start3A_13 = arith.constant 0 : i32
      %dma_start3A_14 = tpu.memref_slice %arg2[%add3A_10, %dma_start3A_13] : memref<100000x128xf32, #tpu.memory_space<hbm>> -> memref<392x128xf32, #tpu.memory_space<hbm>>
      %dma_start3A_15 = arith.constant 0 : i32
      %dma_start3A_16 = arith.constant 0 : i32
      %dma_start3A_17 = tpu.memref_slice %arg4[%dma_start3A_15, %dma_start3A_16] : memref<392x128xf32, #tpu.memory_space<vmem>> -> memref<392x128xf32, #tpu.memory_space<vmem>>
      %dma_start3A_18 = arith.constant 0 : i32
      %dma_start3A_19 = tpu.memref_slice %arg2[%add3A_10, %dma_start3A_18] : memref<100000x128xf32, #tpu.memory_space<hbm>> -> memref<392x128xf32, #tpu.memory_space<hbm>>
      tpu.enqueue_dma source(%dma_start3A_19 : memref<392x128xf32, #tpu.memory_space<hbm>>) target(%dma_start3A_17 : memref<392x128xf32, #tpu.memory_space<vmem>>) target_semaphore(%arg6 : memref<!tpu.dma_semaphore, #tpu.memory_space<semaphore_mem>>)
      %dma_wait3A = arith.constant 0 : i32
      %dma_wait3A_20 = arith.constant 0 : i32
      %dma_wait3A_21 = tpu.memref_slice %arg4[%dma_wait3A, %dma_wait3A_20] : memref<392x128xf32, #tpu.memory_space<vmem>> -> memref<392x128xf32, #tpu.memory_space<vmem>>
      %dma_wait3A_22 = arith.constant 0 : i32
      %dma_wait3A_23 = tpu.memref_slice %arg2[%add3A_10, %dma_wait3A_22] : memref<100000x128xf32, #tpu.memory_space<hbm>> -> memref<392x128xf32, #tpu.memory_space<hbm>>
      %dma_wait3A_24 = arith.constant 0 : i32
      %dma_wait3A_25 = arith.constant 0 : i32
      %dma_wait3A_26 = tpu.memref_slice %arg4[%dma_wait3A_24, %dma_wait3A_25] : memref<392x128xf32, #tpu.memory_space<vmem>> -> memref<392x128xf32, #tpu.memory_space<vmem>>
      %dma_wait3A_27 = arith.constant 0 : i32
      %dma_wait3A_28 = tpu.memref_slice %arg2[%add3A_10, %dma_wait3A_27] : memref<100000x128xf32, #tpu.memory_space<hbm>> -> memref<392x128xf32, #tpu.memory_space<hbm>>
      tpu.wait_dma2 semaphore(%arg6 : memref<!tpu.dma_semaphore, #tpu.memory_space<semaphore_mem>>) src(%dma_wait3A_28 : memref<392x128xf32, #tpu.memory_space<hbm>>) dst(%dma_wait3A_26 : memref<392x128xf32, #tpu.memory_space<vmem>>)
      %add3A_29 = arith.constant 0 : i32
      %add3A_30 = arith.addi %multiple_of3A, %add3A_29 : i32
      %dma_start3A_31 = arith.constant 0 : i32
      %dma_start3A_32 = arith.constant 0 : i32
      %dma_start3A_33 = tpu.memref_slice %arg4[%dma_start3A_31, %dma_start3A_32] : memref<392x128xf32, #tpu.memory_space<vmem>> -> memref<392x128xf32, #tpu.memory_space<vmem>>
      %dma_start3A_34 = arith.constant 0 : i32
      %dma_start3A_35 = tpu.memref_slice %arg3[%add3A_30, %dma_start3A_34] : memref<100000x128xf32, #tpu.memory_space<hbm>> -> memref<392x128xf32, #tpu.memory_space<hbm>>
      %dma_start3A_36 = arith.constant 0 : i32
      %dma_start3A_37 = tpu.memref_slice %arg3[%add3A_30, %dma_start3A_36] : memref<100000x128xf32, #tpu.memory_space<hbm>> -> memref<392x128xf32, #tpu.memory_space<hbm>>
      %dma_start3A_38 = arith.constant 0 : i32
      %dma_start3A_39 = arith.constant 0 : i32
      %dma_start3A_40 = tpu.memref_slice %arg4[%dma_start3A_38, %dma_start3A_39] : memref<392x128xf32, #tpu.memory_space<vmem>> -> memref<392x128xf32, #tpu.memory_space<vmem>>
      tpu.enqueue_dma source(%dma_start3A_40 : memref<392x128xf32, #tpu.memory_space<vmem>>) target(%dma_start3A_37 : memref<392x128xf32, #tpu.memory_space<hbm>>) target_semaphore(%arg8 : memref<!tpu.dma_semaphore, #tpu.memory_space<semaphore_mem>>)
      %add3A_41 = arith.constant 392 : i32
      %add3A_42 = arith.addi %multiple_of3A, %add3A_41 : i32
      %dma_start3A_43 = arith.constant 0 : i32
      %dma_start3A_44 = arith.constant 0 : i32
      %dma_start3A_45 = tpu.memref_slice %arg5[%dma_start3A_43, %dma_start3A_44] : memref<392x128xf32, #tpu.memory_space<vmem>> -> memref<392x128xf32, #tpu.memory_space<vmem>>
      %dma_start3A_46 = arith.constant 0 : i32
      %dma_start3A_47 = tpu.memref_slice %arg2[%add3A_42, %dma_start3A_46] : memref<100000x128xf32, #tpu.memory_space<hbm>> -> memref<392x128xf32, #tpu.memory_space<hbm>>
      %dma_start3A_48 = arith.constant 0 : i32
      %dma_start3A_49 = arith.constant 0 : i32
      %dma_start3A_50 = tpu.memref_slice %arg5[%dma_start3A_48, %dma_start3A_49] : memref<392x128xf32, #tpu.memory_space<vmem>> -> memref<392x128xf32, #tpu.memory_space<vmem>>
      %dma_start3A_51 = arith.constant 0 : i32
      %dma_start3A_52 = tpu.memref_slice %arg2[%add3A_42, %dma_start3A_51] : memref<100000x128xf32, #tpu.memory_space<hbm>> -> memref<392x128xf32, #tpu.memory_space<hbm>>
      tpu.enqueue_dma source(%dma_start3A_52 : memref<392x128xf32, #tpu.memory_space<hbm>>) target(%dma_start3A_50 : memref<392x128xf32, #tpu.memory_space<vmem>>) target_semaphore(%arg7 : memref<!tpu.dma_semaphore, #tpu.memory_space<semaphore_mem>>)
      %dma_wait3A_53 = arith.constant 0 : i32
      %dma_wait3A_54 = arith.constant 0 : i32
      %dma_wait3A_55 = tpu.memref_slice %arg5[%dma_wait3A_53, %dma_wait3A_54] : memref<392x128xf32, #tpu.memory_space<vmem>> -> memref<392x128xf32, #tpu.memory_space<vmem>>
      %dma_wait3A_56 = arith.constant 0 : i32
      %dma_wait3A_57 = tpu.memref_slice %arg2[%add3A_42, %dma_wait3A_56] : memref<100000x128xf32, #tpu.memory_space<hbm>> -> memref<392x128xf32, #tpu.memory_space<hbm>>
      %dma_wait3A_58 = arith.constant 0 : i32
      %dma_wait3A_59 = arith.constant 0 : i32
      %dma_wait3A_60 = tpu.memref_slice %arg5[%dma_wait3A_58, %dma_wait3A_59] : memref<392x128xf32, #tpu.memory_space<vmem>> -> memref<392x128xf32, #tpu.memory_space<vmem>>
      %dma_wait3A_61 = arith.constant 0 : i32
      %dma_wait3A_62 = tpu.memref_slice %arg2[%add3A_42, %dma_wait3A_61] : memref<100000x128xf32, #tpu.memory_space<hbm>> -> memref<392x128xf32, #tpu.memory_space<hbm>>
      tpu.wait_dma2 semaphore(%arg7 : memref<!tpu.dma_semaphore, #tpu.memory_space<semaphore_mem>>) src(%dma_wait3A_62 : memref<392x128xf32, #tpu.memory_space<hbm>>) dst(%dma_wait3A_60 : memref<392x128xf32, #tpu.memory_space<vmem>>)
      %add3A_63 = arith.constant 392 : i32
      %add3A_64 = arith.addi %multiple_of3A, %add3A_63 : i32
      %dma_start3A_65 = arith.constant 0 : i32
      %dma_start3A_66 = arith.constant 0 : i32
      %dma_start3A_67 = tpu.memref_slice %arg5[%dma_start3A_65, %dma_start3A_66] : memref<392x128xf32, #tpu.memory_space<vmem>> -> memref<392x128xf32, #tpu.memory_space<vmem>>
      %dma_start3A_68 = arith.constant 0 : i32
      %dma_start3A_69 = tpu.memref_slice %arg3[%add3A_64, %dma_start3A_68] : memref<100000x128xf32, #tpu.memory_space<hbm>> -> memref<392x128xf32, #tpu.memory_space<hbm>>
      %dma_start3A_70 = arith.constant 0 : i32
      %dma_start3A_71 = tpu.memref_slice %arg3[%add3A_64, %dma_start3A_70] : memref<100000x128xf32, #tpu.memory_space<hbm>> -> memref<392x128xf32, #tpu.memory_space<hbm>>
      %dma_start3A_72 = arith.constant 0 : i32
      %dma_start3A_73 = arith.constant 0 : i32
      %dma_start3A_74 = tpu.memref_slice %arg5[%dma_start3A_72, %dma_start3A_73] : memref<392x128xf32, #tpu.memory_space<vmem>> -> memref<392x128xf32, #tpu.memory_space<vmem>>
      tpu.enqueue_dma source(%dma_start3A_74 : memref<392x128xf32, #tpu.memory_space<vmem>>) target(%dma_start3A_71 : memref<392x128xf32, #tpu.memory_space<hbm>>) target_semaphore(%arg9 : memref<!tpu.dma_semaphore, #tpu.memory_space<semaphore_mem>>)
      %dma_wait3A_75 = arith.constant 0 : i32
      %dma_wait3A_76 = arith.constant 0 : i32
      %dma_wait3A_77 = tpu.memref_slice %arg4[%dma_wait3A_75, %dma_wait3A_76] : memref<392x128xf32, #tpu.memory_space<vmem>> -> memref<392x128xf32, #tpu.memory_space<vmem>>
      %dma_wait3A_78 = arith.constant 0 : i32
      %dma_wait3A_79 = tpu.memref_slice %arg3[%add3A_30, %dma_wait3A_78] : memref<100000x128xf32, #tpu.memory_space<hbm>> -> memref<392x128xf32, #tpu.memory_space<hbm>>
      %dma_wait3A_80 = arith.constant 0 : i32
      %dma_wait3A_81 = tpu.memref_slice %arg3[%add3A_30, %dma_wait3A_80] : memref<100000x128xf32, #tpu.memory_space<hbm>> -> memref<392x128xf32, #tpu.memory_space<hbm>>
      %dma_wait3A_82 = arith.constant 0 : i32
      %dma_wait3A_83 = arith.constant 0 : i32
      %dma_wait3A_84 = tpu.memref_slice %arg4[%dma_wait3A_82, %dma_wait3A_83] : memref<392x128xf32, #tpu.memory_space<vmem>> -> memref<392x128xf32, #tpu.memory_space<vmem>>
      tpu.wait_dma2 semaphore(%arg8 : memref<!tpu.dma_semaphore, #tpu.memory_space<semaphore_mem>>) src(%dma_wait3A_84 : memref<392x128xf32, #tpu.memory_space<vmem>>) dst(%dma_wait3A_81 : memref<392x128xf32, #tpu.memory_space<hbm>>)
      %add3A_85 = arith.constant 784 : i32
      %add3A_86 = arith.addi %multiple_of3A, %add3A_85 : i32
      %dma_start3A_87 = arith.constant 0 : i32
      %dma_start3A_88 = arith.constant 0 : i32
      %dma_start3A_89 = tpu.memref_slice %arg4[%dma_start3A_87, %dma_start3A_88] : memref<392x128xf32, #tpu.memory_space<vmem>> -> memref<392x128xf32, #tpu.memory_space<vmem>>
      %dma_start3A_90 = arith.constant 0 : i32
      %dma_start3A_91 = tpu.memref_slice %arg2[%add3A_86, %dma_start3A_90] : memref<100000x128xf32, #tpu.memory_space<hbm>> -> memref<392x128xf32, #tpu.memory_space<hbm>>
      %dma_start3A_92 = arith.constant 0 : i32
      %dma_start3A_93 = arith.constant 0 : i32
      %dma_start3A_94 = tpu.memref_slice %arg4[%dma_start3A_92, %dma_start3A_93] : memref<392x128xf32, #tpu.memory_space<vmem>> -> memref<392x128xf32, #tpu.memory_space<vmem>>
      %dma_start3A_95 = arith.constant 0 : i32
      %dma_start3A_96 = tpu.memref_slice %arg2[%add3A_86, %dma_start3A_95] : memref<100000x128xf32, #tpu.memory_space<hbm>> -> memref<392x128xf32, #tpu.memory_space<hbm>>
      tpu.enqueue_dma source(%dma_start3A_96 : memref<392x128xf32, #tpu.memory_space<hbm>>) target(%dma_start3A_94 : memref<392x128xf32, #tpu.memory_space<vmem>>) target_semaphore(%arg6 : memref<!tpu.dma_semaphore, #tpu.memory_space<semaphore_mem>>)
      %dma_wait3A_97 = arith.constant 0 : i32
      %dma_wait3A_98 = arith.constant 0 : i32
      %dma_wait3A_99 = tpu.memref_slice %arg4[%dma_wait3A_97, %dma_wait3A_98] : memref<392x128xf32, #tpu.memory_space<vmem>> -> memref<392x128xf32, #tpu.memory_space<vmem>>
      %dma_wait3A_100 = arith.constant 0 : i32
      %dma_wait3A_101 = tpu.memref_slice %arg2[%add3A_86, %dma_wait3A_100] : memref<100000x128xf32, #tpu.memory_space<hbm>> -> memref<392x128xf32, #tpu.memory_space<hbm>>
      %dma_wait3A_102 = arith.constant 0 : i32
      %dma_wait3A_103 = arith.constant 0 : i32
      %dma_wait3A_104 = tpu.memref_slice %arg4[%dma_wait3A_102, %dma_wait3A_103] : memref<392x128xf32, #tpu.memory_space<vmem>> -> memref<392x128xf32, #tpu.memory_space<vmem>>
      %dma_wait3A_105 = arith.constant 0 : i32
      %dma_wait3A_106 = tpu.memref_slice %arg2[%add3A_86, %dma_wait3A_105] : memref<100000x128xf32, #tpu.memory_space<hbm>> -> memref<392x128xf32, #tpu.memory_space<hbm>>
      tpu.wait_dma2 semaphore(%arg6 : memref<!tpu.dma_semaphore, #tpu.memory_space<semaphore_mem>>) src(%dma_wait3A_106 : memref<392x128xf32, #tpu.memory_space<hbm>>) dst(%dma_wait3A_104 : memref<392x128xf32, #tpu.memory_space<vmem>>)
      %add3A_107 = arith.constant 784 : i32
      %add3A_108 = arith.addi %multiple_of3A, %add3A_107 : i32
      %dma_start3A_109 = arith.constant 0 : i32
      %dma_start3A_110 = arith.constant 0 : i32
      %dma_start3A_111 = tpu.memref_slice %arg4[%dma_start3A_109, %dma_start3A_110] : memref<392x128xf32, #tpu.memory_space<vmem>> -> memref<392x128xf32, #tpu.memory_space<vmem>>
      %dma_start3A_112 = arith.constant 0 : i32
      %dma_start3A_113 = tpu.memref_slice %arg3[%add3A_108, %dma_start3A_112] : memref<100000x128xf32, #tpu.memory_space<hbm>> -> memref<392x128xf32, #tpu.memory_space<hbm>>
      %dma_start3A_114 = arith.constant 0 : i32
      %dma_start3A_115 = tpu.memref_slice %arg3[%add3A_108, %dma_start3A_114] : memref<100000x128xf32, #tpu.memory_space<hbm>> -> memref<392x128xf32, #tpu.memory_space<hbm>>
      %dma_start3A_116 = arith.constant 0 : i32
      %dma_start3A_117 = arith.constant 0 : i32
      %dma_start3A_118 = tpu.memref_slice %arg4[%dma_start3A_116, %dma_start3A_117] : memref<392x128xf32, #tpu.memory_space<vmem>> -> memref<392x128xf32, #tpu.memory_space<vmem>>
      tpu.enqueue_dma source(%dma_start3A_118 : memref<392x128xf32, #tpu.memory_space<vmem>>) target(%dma_start3A_115 : memref<392x128xf32, #tpu.memory_space<hbm>>) target_semaphore(%arg8 : memref<!tpu.dma_semaphore, #tpu.memory_space<semaphore_mem>>)
      %dma_wait3A_119 = arith.constant 0 : i32
      %dma_wait3A_120 = arith.constant 0 : i32
      %dma_wait3A_121 = tpu.memref_slice %arg5[%dma_wait3A_119, %dma_wait3A_120] : memref<392x128xf32, #tpu.memory_space<vmem>> -> memref<392x128xf32, #tpu.memory_space<vmem>>
      %dma_wait3A_122 = arith.constant 0 : i32
      %dma_wait3A_123 = tpu.memref_slice %arg3[%add3A_64, %dma_wait3A_122] : memref<100000x128xf32, #tpu.memory_space<hbm>> -> memref<392x128xf32, #tpu.memory_space<hbm>>
      %dma_wait3A_124 = arith.constant 0 : i32
      %dma_wait3A_125 = tpu.memref_slice %arg3[%add3A_64, %dma_wait3A_124] : memref<100000x128xf32, #tpu.memory_space<hbm>> -> memref<392x128xf32, #tpu.memory_space<hbm>>
      %dma_wait3A_126 = arith.constant 0 : i32
      %dma_wait3A_127 = arith.constant 0 : i32
      %dma_wait3A_128 = tpu.memref_slice %arg5[%dma_wait3A_126, %dma_wait3A_127] : memref<392x128xf32, #tpu.memory_space<vmem>> -> memref<392x128xf32, #tpu.memory_space<vmem>>
      tpu.wait_dma2 semaphore(%arg9 : memref<!tpu.dma_semaphore, #tpu.memory_space<semaphore_mem>>) src(%dma_wait3A_128 : memref<392x128xf32, #tpu.memory_space<vmem>>) dst(%dma_wait3A_125 : memref<392x128xf32, #tpu.memory_space<hbm>>)
      %add3A_129 = arith.constant 1176 : i32
      %add3A_130 = arith.addi %multiple_of3A, %add3A_129 : i32
      %dma_start3A_131 = arith.constant 0 : i32
      %dma_start3A_132 = arith.constant 0 : i32
      %dma_start3A_133 = tpu.memref_slice %arg5[%dma_start3A_131, %dma_start3A_132] : memref<392x128xf32, #tpu.memory_space<vmem>> -> memref<392x128xf32, #tpu.memory_space<vmem>>
      %dma_start3A_134 = arith.constant 0 : i32
      %dma_start3A_135 = tpu.memref_slice %arg2[%add3A_130, %dma_start3A_134] : memref<100000x128xf32, #tpu.memory_space<hbm>> -> memref<392x128xf32, #tpu.memory_space<hbm>>
      %dma_start3A_136 = arith.constant 0 : i32
      %dma_start3A_137 = arith.constant 0 : i32
      %dma_start3A_138 = tpu.memref_slice %arg5[%dma_start3A_136, %dma_start3A_137] : memref<392x128xf32, #tpu.memory_space<vmem>> -> memref<392x128xf32, #tpu.memory_space<vmem>>
      %dma_start3A_139 = arith.constant 0 : i32
      %dma_start3A_140 = tpu.memref_slice %arg2[%add3A_130, %dma_start3A_139] : memref<100000x128xf32, #tpu.memory_space<hbm>> -> memref<392x128xf32, #tpu.memory_space<hbm>>
      tpu.enqueue_dma source(%dma_start3A_140 : memref<392x128xf32, #tpu.memory_space<hbm>>) target(%dma_start3A_138 : memref<392x128xf32, #tpu.memory_space<vmem>>) target_semaphore(%arg7 : memref<!tpu.dma_semaphore, #tpu.memory_space<semaphore_mem>>)
      %dma_wait3A_141 = arith.constant 0 : i32
      %dma_wait3A_142 = arith.constant 0 : i32
      %dma_wait3A_143 = tpu.memref_slice %arg5[%dma_wait3A_141, %dma_wait3A_142] : memref<392x128xf32, #tpu.memory_space<vmem>> -> memref<392x128xf32, #tpu.memory_space<vmem>>
      %dma_wait3A_144 = arith.constant 0 : i32
      %dma_wait3A_145 = tpu.memref_slice %arg2[%add3A_130, %dma_wait3A_144] : memref<100000x128xf32, #tpu.memory_space<hbm>> -> memref<392x128xf32, #tpu.memory_space<hbm>>
      %dma_wait3A_146 = arith.constant 0 : i32
      %dma_wait3A_147 = arith.constant 0 : i32
      %dma_wait3A_148 = tpu.memref_slice %arg5[%dma_wait3A_146, %dma_wait3A_147] : memref<392x128xf32, #tpu.memory_space<vmem>> -> memref<392x128xf32, #tpu.memory_space<vmem>>
      %dma_wait3A_149 = arith.constant 0 : i32
      %dma_wait3A_150 = tpu.memref_slice %arg2[%add3A_130, %dma_wait3A_149] : memref<100000x128xf32, #tpu.memory_space<hbm>> -> memref<392x128xf32, #tpu.memory_space<hbm>>
      tpu.wait_dma2 semaphore(%arg7 : memref<!tpu.dma_semaphore, #tpu.memory_space<semaphore_mem>>) src(%dma_wait3A_150 : memref<392x128xf32, #tpu.memory_space<hbm>>) dst(%dma_wait3A_148 : memref<392x128xf32, #tpu.memory_space<vmem>>)
      %add3A_151 = arith.constant 1176 : i32
      %add3A_152 = arith.addi %multiple_of3A, %add3A_151 : i32
      %dma_start3A_153 = arith.constant 0 : i32
      %dma_start3A_154 = arith.constant 0 : i32
      %dma_start3A_155 = tpu.memref_slice %arg5[%dma_start3A_153, %dma_start3A_154] : memref<392x128xf32, #tpu.memory_space<vmem>> -> memref<392x128xf32, #tpu.memory_space<vmem>>
      %dma_start3A_156 = arith.constant 0 : i32
      %dma_start3A_157 = tpu.memref_slice %arg3[%add3A_152, %dma_start3A_156] : memref<100000x128xf32, #tpu.memory_space<hbm>> -> memref<392x128xf32, #tpu.memory_space<hbm>>
      %dma_start3A_158 = arith.constant 0 : i32
      %dma_start3A_159 = tpu.memref_slice %arg3[%add3A_152, %dma_start3A_158] : memref<100000x128xf32, #tpu.memory_space<hbm>> -> memref<392x128xf32, #tpu.memory_space<hbm>>
      %dma_start3A_160 = arith.constant 0 : i32
      %dma_start3A_161 = arith.constant 0 : i32
      %dma_start3A_162 = tpu.memref_slice %arg5[%dma_start3A_160, %dma_start3A_161] : memref<392x128xf32, #tpu.memory_space<vmem>> -> memref<392x128xf32, #tpu.memory_space<vmem>>
      tpu.enqueue_dma source(%dma_start3A_162 : memref<392x128xf32, #tpu.memory_space<vmem>>) target(%dma_start3A_159 : memref<392x128xf32, #tpu.memory_space<hbm>>) target_semaphore(%arg9 : memref<!tpu.dma_semaphore, #tpu.memory_space<semaphore_mem>>)
      %dma_wait3A_163 = arith.constant 0 : i32
      %dma_wait3A_164 = arith.constant 0 : i32
      %dma_wait3A_165 = tpu.memref_slice %arg4[%dma_wait3A_163, %dma_wait3A_164] : memref<392x128xf32, #tpu.memory_space<vmem>> -> memref<392x128xf32, #tpu.memory_space<vmem>>
      %dma_wait3A_166 = arith.constant 0 : i32
      %dma_wait3A_167 = tpu.memref_slice %arg3[%add3A_108, %dma_wait3A_166] : memref<100000x128xf32, #tpu.memory_space<hbm>> -> memref<392x128xf32, #tpu.memory_space<hbm>>
      %dma_wait3A_168 = arith.constant 0 : i32
      %dma_wait3A_169 = tpu.memref_slice %arg3[%add3A_108, %dma_wait3A_168] : memref<100000x128xf32, #tpu.memory_space<hbm>> -> memref<392x128xf32, #tpu.memory_space<hbm>>
      %dma_wait3A_170 = arith.constant 0 : i32
      %dma_wait3A_171 = arith.constant 0 : i32
      %dma_wait3A_172 = tpu.memref_slice %arg4[%dma_wait3A_170, %dma_wait3A_171] : memref<392x128xf32, #tpu.memory_space<vmem>> -> memref<392x128xf32, #tpu.memory_space<vmem>>
      tpu.wait_dma2 semaphore(%arg8 : memref<!tpu.dma_semaphore, #tpu.memory_space<semaphore_mem>>) src(%dma_wait3A_172 : memref<392x128xf32, #tpu.memory_space<vmem>>) dst(%dma_wait3A_169 : memref<392x128xf32, #tpu.memory_space<hbm>>)
      %add3A_173 = arith.constant 1568 : i32
      %add3A_174 = arith.addi %multiple_of3A, %add3A_173 : i32
      %dma_start3A_175 = arith.constant 0 : i32
      %dma_start3A_176 = arith.constant 0 : i32
      %dma_start3A_177 = tpu.memref_slice %arg4[%dma_start3A_175, %dma_start3A_176] : memref<392x128xf32, #tpu.memory_space<vmem>> -> memref<392x128xf32, #tpu.memory_space<vmem>>
      %dma_start3A_178 = arith.constant 0 : i32
      %dma_start3A_179 = tpu.memref_slice %arg2[%add3A_174, %dma_start3A_178] : memref<100000x128xf32, #tpu.memory_space<hbm>> -> memref<392x128xf32, #tpu.memory_space<hbm>>
      %dma_start3A_180 = arith.constant 0 : i32
      %dma_start3A_181 = arith.constant 0 : i32
      %dma_start3A_182 = tpu.memref_slice %arg4[%dma_start3A_180, %dma_start3A_181] : memref<392x128xf32, #tpu.memory_space<vmem>> -> memref<392x128xf32, #tpu.memory_space<vmem>>
      %dma_start3A_183 = arith.constant 0 : i32
      %dma_start3A_184 = tpu.memref_slice %arg2[%add3A_174, %dma_start3A_183] : memref<100000x128xf32, #tpu.memory_space<hbm>> -> memref<392x128xf32, #tpu.memory_space<hbm>>
      tpu.enqueue_dma source(%dma_start3A_184 : memref<392x128xf32, #tpu.memory_space<hbm>>) target(%dma_start3A_182 : memref<392x128xf32, #tpu.memory_space<vmem>>) target_semaphore(%arg6 : memref<!tpu.dma_semaphore, #tpu.memory_space<semaphore_mem>>)
      %dma_wait3A_185 = arith.constant 0 : i32
      %dma_wait3A_186 = arith.constant 0 : i32
      %dma_wait3A_187 = tpu.memref_slice %arg4[%dma_wait3A_185, %dma_wait3A_186] : memref<392x128xf32, #tpu.memory_space<vmem>> -> memref<392x128xf32, #tpu.memory_space<vmem>>
      %dma_wait3A_188 = arith.constant 0 : i32
      %dma_wait3A_189 = tpu.memref_slice %arg2[%add3A_174, %dma_wait3A_188] : memref<100000x128xf32, #tpu.memory_space<hbm>> -> memref<392x128xf32, #tpu.memory_space<hbm>>
      %dma_wait3A_190 = arith.constant 0 : i32
      %dma_wait3A_191 = arith.constant 0 : i32
      %dma_wait3A_192 = tpu.memref_slice %arg4[%dma_wait3A_190, %dma_wait3A_191] : memref<392x128xf32, #tpu.memory_space<vmem>> -> memref<392x128xf32, #tpu.memory_space<vmem>>
      %dma_wait3A_193 = arith.constant 0 : i32
      %dma_wait3A_194 = tpu.memref_slice %arg2[%add3A_174, %dma_wait3A_193] : memref<100000x128xf32, #tpu.memory_space<hbm>> -> memref<392x128xf32, #tpu.memory_space<hbm>>
      tpu.wait_dma2 semaphore(%arg6 : memref<!tpu.dma_semaphore, #tpu.memory_space<semaphore_mem>>) src(%dma_wait3A_194 : memref<392x128xf32, #tpu.memory_space<hbm>>) dst(%dma_wait3A_192 : memref<392x128xf32, #tpu.memory_space<vmem>>)
      %add3A_195 = arith.constant 1568 : i32
      %add3A_196 = arith.addi %multiple_of3A, %add3A_195 : i32
      %dma_start3A_197 = arith.constant 0 : i32
      %dma_start3A_198 = arith.constant 0 : i32
      %dma_start3A_199 = tpu.memref_slice %arg4[%dma_start3A_197, %dma_start3A_198] : memref<392x128xf32, #tpu.memory_space<vmem>> -> memref<392x128xf32, #tpu.memory_space<vmem>>
      %dma_start3A_200 = arith.constant 0 : i32
      %dma_start3A_201 = tpu.memref_slice %arg3[%add3A_196, %dma_start3A_200] : memref<100000x128xf32, #tpu.memory_space<hbm>> -> memref<392x128xf32, #tpu.memory_space<hbm>>
      %dma_start3A_202 = arith.constant 0 : i32
      %dma_start3A_203 = tpu.memref_slice %arg3[%add3A_196, %dma_start3A_202] : memref<100000x128xf32, #tpu.memory_space<hbm>> -> memref<392x128xf32, #tpu.memory_space<hbm>>
      %dma_start3A_204 = arith.constant 0 : i32
      %dma_start3A_205 = arith.constant 0 : i32
      %dma_start3A_206 = tpu.memref_slice %arg4[%dma_start3A_204, %dma_start3A_205] : memref<392x128xf32, #tpu.memory_space<vmem>> -> memref<392x128xf32, #tpu.memory_space<vmem>>
      tpu.enqueue_dma source(%dma_start3A_206 : memref<392x128xf32, #tpu.memory_space<vmem>>) target(%dma_start3A_203 : memref<392x128xf32, #tpu.memory_space<hbm>>) target_semaphore(%arg8 : memref<!tpu.dma_semaphore, #tpu.memory_space<semaphore_mem>>)
      %dma_wait3A_207 = arith.constant 0 : i32
      %dma_wait3A_208 = arith.constant 0 : i32
      %dma_wait3A_209 = tpu.memref_slice %arg5[%dma_wait3A_207, %dma_wait3A_208] : memref<392x128xf32, #tpu.memory_space<vmem>> -> memref<392x128xf32, #tpu.memory_space<vmem>>
      %dma_wait3A_210 = arith.constant 0 : i32
      %dma_wait3A_211 = tpu.memref_slice %arg3[%add3A_152, %dma_wait3A_210] : memref<100000x128xf32, #tpu.memory_space<hbm>> -> memref<392x128xf32, #tpu.memory_space<hbm>>
      %dma_wait3A_212 = arith.constant 0 : i32
      %dma_wait3A_213 = tpu.memref_slice %arg3[%add3A_152, %dma_wait3A_212] : memref<100000x128xf32, #tpu.memory_space<hbm>> -> memref<392x128xf32, #tpu.memory_space<hbm>>
      %dma_wait3A_214 = arith.constant 0 : i32
      %dma_wait3A_215 = arith.constant 0 : i32
      %dma_wait3A_216 = tpu.memref_slice %arg5[%dma_wait3A_214, %dma_wait3A_215] : memref<392x128xf32, #tpu.memory_space<vmem>> -> memref<392x128xf32, #tpu.memory_space<vmem>>
      tpu.wait_dma2 semaphore(%arg9 : memref<!tpu.dma_semaphore, #tpu.memory_space<semaphore_mem>>) src(%dma_wait3A_216 : memref<392x128xf32, #tpu.memory_space<vmem>>) dst(%dma_wait3A_213 : memref<392x128xf32, #tpu.memory_space<hbm>>)
      %add3A_217 = arith.constant 1960 : i32
      %add3A_218 = arith.addi %multiple_of3A, %add3A_217 : i32
      %dma_start3A_219 = arith.constant 0 : i32
      %dma_start3A_220 = arith.constant 0 : i32
      %dma_start3A_221 = tpu.memref_slice %arg5[%dma_start3A_219, %dma_start3A_220] : memref<392x128xf32, #tpu.memory_space<vmem>> -> memref<392x128xf32, #tpu.memory_space<vmem>>
      %dma_start3A_222 = arith.constant 0 : i32
      %dma_start3A_223 = tpu.memref_slice %arg2[%add3A_218, %dma_start3A_222] : memref<100000x128xf32, #tpu.memory_space<hbm>> -> memref<392x128xf32, #tpu.memory_space<hbm>>
      %dma_start3A_224 = arith.constant 0 : i32
      %dma_start3A_225 = arith.constant 0 : i32
      %dma_start3A_226 = tpu.memref_slice %arg5[%dma_start3A_224, %dma_start3A_225] : memref<392x128xf32, #tpu.memory_space<vmem>> -> memref<392x128xf32, #tpu.memory_space<vmem>>
      %dma_start3A_227 = arith.constant 0 : i32
      %dma_start3A_228 = tpu.memref_slice %arg2[%add3A_218, %dma_start3A_227] : memref<100000x128xf32, #tpu.memory_space<hbm>> -> memref<392x128xf32, #tpu.memory_space<hbm>>
      tpu.enqueue_dma source(%dma_start3A_228 : memref<392x128xf32, #tpu.memory_space<hbm>>) target(%dma_start3A_226 : memref<392x128xf32, #tpu.memory_space<vmem>>) target_semaphore(%arg7 : memref<!tpu.dma_semaphore, #tpu.memory_space<semaphore_mem>>)
      %dma_wait3A_229 = arith.constant 0 : i32
      %dma_wait3A_230 = arith.constant 0 : i32
      %dma_wait3A_231 = tpu.memref_slice %arg5[%dma_wait3A_229, %dma_wait3A_230] : memref<392x128xf32, #tpu.memory_space<vmem>> -> memref<392x128xf32, #tpu.memory_space<vmem>>
      %dma_wait3A_232 = arith.constant 0 : i32
      %dma_wait3A_233 = tpu.memref_slice %arg2[%add3A_218, %dma_wait3A_232] : memref<100000x128xf32, #tpu.memory_space<hbm>> -> memref<392x128xf32, #tpu.memory_space<hbm>>
      %dma_wait3A_234 = arith.constant 0 : i32
      %dma_wait3A_235 = arith.constant 0 : i32
      %dma_wait3A_236 = tpu.memref_slice %arg5[%dma_wait3A_234, %dma_wait3A_235] : memref<392x128xf32, #tpu.memory_space<vmem>> -> memref<392x128xf32, #tpu.memory_space<vmem>>
      %dma_wait3A_237 = arith.constant 0 : i32
      %dma_wait3A_238 = tpu.memref_slice %arg2[%add3A_218, %dma_wait3A_237] : memref<100000x128xf32, #tpu.memory_space<hbm>> -> memref<392x128xf32, #tpu.memory_space<hbm>>
      tpu.wait_dma2 semaphore(%arg7 : memref<!tpu.dma_semaphore, #tpu.memory_space<semaphore_mem>>) src(%dma_wait3A_238 : memref<392x128xf32, #tpu.memory_space<hbm>>) dst(%dma_wait3A_236 : memref<392x128xf32, #tpu.memory_space<vmem>>)
      %add3A_239 = arith.constant 1960 : i32
      %add3A_240 = arith.addi %multiple_of3A, %add3A_239 : i32
      %dma_start3A_241 = arith.constant 0 : i32
      %dma_start3A_242 = arith.constant 0 : i32
      %dma_start3A_243 = tpu.memref_slice %arg5[%dma_start3A_241, %dma_start3A_242] : memref<392x128xf32, #tpu.memory_space<vmem>> -> memref<392x128xf32, #tpu.memory_space<vmem>>
      %dma_start3A_244 = arith.constant 0 : i32
      %dma_start3A_245 = tpu.memref_slice %arg3[%add3A_240, %dma_start3A_244] : memref<100000x128xf32, #tpu.memory_space<hbm>> -> memref<392x128xf32, #tpu.memory_space<hbm>>
      %dma_start3A_246 = arith.constant 0 : i32
      %dma_start3A_247 = tpu.memref_slice %arg3[%add3A_240, %dma_start3A_246] : memref<100000x128xf32, #tpu.memory_space<hbm>> -> memref<392x128xf32, #tpu.memory_space<hbm>>
      %dma_start3A_248 = arith.constant 0 : i32
      %dma_start3A_249 = arith.constant 0 : i32
      %dma_start3A_250 = tpu.memref_slice %arg5[%dma_start3A_248, %dma_start3A_249] : memref<392x128xf32, #tpu.memory_space<vmem>> -> memref<392x128xf32, #tpu.memory_space<vmem>>
      tpu.enqueue_dma source(%dma_start3A_250 : memref<392x128xf32, #tpu.memory_space<vmem>>) target(%dma_start3A_247 : memref<392x128xf32, #tpu.memory_space<hbm>>) target_semaphore(%arg9 : memref<!tpu.dma_semaphore, #tpu.memory_space<semaphore_mem>>)
      %dma_wait3A_251 = arith.constant 0 : i32
      %dma_wait3A_252 = arith.constant 0 : i32
      %dma_wait3A_253 = tpu.memref_slice %arg4[%dma_wait3A_251, %dma_wait3A_252] : memref<392x128xf32, #tpu.memory_space<vmem>> -> memref<392x128xf32, #tpu.memory_space<vmem>>
      %dma_wait3A_254 = arith.constant 0 : i32
      %dma_wait3A_255 = tpu.memref_slice %arg3[%add3A_196, %dma_wait3A_254] : memref<100000x128xf32, #tpu.memory_space<hbm>> -> memref<392x128xf32, #tpu.memory_space<hbm>>
      %dma_wait3A_256 = arith.constant 0 : i32
      %dma_wait3A_257 = tpu.memref_slice %arg3[%add3A_196, %dma_wait3A_256] : memref<100000x128xf32, #tpu.memory_space<hbm>> -> memref<392x128xf32, #tpu.memory_space<hbm>>
      %dma_wait3A_258 = arith.constant 0 : i32
      %dma_wait3A_259 = arith.constant 0 : i32
      %dma_wait3A_260 = tpu.memref_slice %arg4[%dma_wait3A_258, %dma_wait3A_259] : memref<392x128xf32, #tpu.memory_space<vmem>> -> memref<392x128xf32, #tpu.memory_space<vmem>>
      tpu.wait_dma2 semaphore(%arg8 : memref<!tpu.dma_semaphore, #tpu.memory_space<semaphore_mem>>) src(%dma_wait3A_260 : memref<392x128xf32, #tpu.memory_space<vmem>>) dst(%dma_wait3A_257 : memref<392x128xf32, #tpu.memory_space<hbm>>)
      %add3A_261 = arith.constant 2352 : i32
      %add3A_262 = arith.addi %multiple_of3A, %add3A_261 : i32
      %dma_start3A_263 = arith.constant 0 : i32
      %dma_start3A_264 = arith.constant 0 : i32
      %dma_start3A_265 = tpu.memref_slice %arg4[%dma_start3A_263, %dma_start3A_264] : memref<392x128xf32, #tpu.memory_space<vmem>> -> memref<392x128xf32, #tpu.memory_space<vmem>>
      %dma_start3A_266 = arith.constant 0 : i32
      %dma_start3A_267 = tpu.memref_slice %arg2[%add3A_262, %dma_start3A_266] : memref<100000x128xf32, #tpu.memory_space<hbm>> -> memref<392x128xf32, #tpu.memory_space<hbm>>
      %dma_start3A_268 = arith.constant 0 : i32
      %dma_start3A_269 = arith.constant 0 : i32
      %dma_start3A_270 = tpu.memref_slice %arg4[%dma_start3A_268, %dma_start3A_269] : memref<392x128xf32, #tpu.memory_space<vmem>> -> memref<392x128xf32, #tpu.memory_space<vmem>>
      %dma_start3A_271 = arith.constant 0 : i32
      %dma_start3A_272 = tpu.memref_slice %arg2[%add3A_262, %dma_start3A_271] : memref<100000x128xf32, #tpu.memory_space<hbm>> -> memref<392x128xf32, #tpu.memory_space<hbm>>
      tpu.enqueue_dma source(%dma_start3A_272 : memref<392x128xf32, #tpu.memory_space<hbm>>) target(%dma_start3A_270 : memref<392x128xf32, #tpu.memory_space<vmem>>) target_semaphore(%arg6 : memref<!tpu.dma_semaphore, #tpu.memory_space<semaphore_mem>>)
      %dma_wait3A_273 = arith.constant 0 : i32
      %dma_wait3A_274 = arith.constant 0 : i32
      %dma_wait3A_275 = tpu.memref_slice %arg4[%dma_wait3A_273, %dma_wait3A_274] : memref<392x128xf32, #tpu.memory_space<vmem>> -> memref<392x128xf32, #tpu.memory_space<vmem>>
      %dma_wait3A_276 = arith.constant 0 : i32
      %dma_wait3A_277 = tpu.memref_slice %arg2[%add3A_262, %dma_wait3A_276] : memref<100000x128xf32, #tpu.memory_space<hbm>> -> memref<392x128xf32, #tpu.memory_space<hbm>>
      %dma_wait3A_278 = arith.constant 0 : i32
      %dma_wait3A_279 = arith.constant 0 : i32
      %dma_wait3A_280 = tpu.memref_slice %arg4[%dma_wait3A_278, %dma_wait3A_279] : memref<392x128xf32, #tpu.memory_space<vmem>> -> memref<392x128xf32, #tpu.memory_space<vmem>>
      %dma_wait3A_281 = arith.constant 0 : i32
      %dma_wait3A_282 = tpu.memref_slice %arg2[%add3A_262, %dma_wait3A_281] : memref<100000x128xf32, #tpu.memory_space<hbm>> -> memref<392x128xf32, #tpu.memory_space<hbm>>
      tpu.wait_dma2 semaphore(%arg6 : memref<!tpu.dma_semaphore, #tpu.memory_space<semaphore_mem>>) src(%dma_wait3A_282 : memref<392x128xf32, #tpu.memory_space<hbm>>) dst(%dma_wait3A_280 : memref<392x128xf32, #tpu.memory_space<vmem>>)
      %add3A_283 = arith.constant 2352 : i32
      %add3A_284 = arith.addi %multiple_of3A, %add3A_283 : i32
      %dma_start3A_285 = arith.constant 0 : i32
      %dma_start3A_286 = arith.constant 0 : i32
      %dma_start3A_287 = tpu.memref_slice %arg4[%dma_start3A_285, %dma_start3A_286] : memref<392x128xf32, #tpu.memory_space<vmem>> -> memref<392x128xf32, #tpu.memory_space<vmem>>
      %dma_start3A_288 = arith.constant 0 : i32
      %dma_start3A_289 = tpu.memref_slice %arg3[%add3A_284, %dma_start3A_288] : memref<100000x128xf32, #tpu.memory_space<hbm>> -> memref<392x128xf32, #tpu.memory_space<hbm>>
      %dma_start3A_290 = arith.constant 0 : i32
      %dma_start3A_291 = tpu.memref_slice %arg3[%add3A_284, %dma_start3A_290] : memref<100000x128xf32, #tpu.memory_space<hbm>> -> memref<392x128xf32, #tpu.memory_space<hbm>>
      %dma_start3A_292 = arith.constant 0 : i32
      %dma_start3A_293 = arith.constant 0 : i32
      %dma_start3A_294 = tpu.memref_slice %arg4[%dma_start3A_292, %dma_start3A_293] : memref<392x128xf32, #tpu.memory_space<vmem>> -> memref<392x128xf32, #tpu.memory_space<vmem>>
      tpu.enqueue_dma source(%dma_start3A_294 : memref<392x128xf32, #tpu.memory_space<vmem>>) target(%dma_start3A_291 : memref<392x128xf32, #tpu.memory_space<hbm>>) target_semaphore(%arg8 : memref<!tpu.dma_semaphore, #tpu.memory_space<semaphore_mem>>)
      %dma_wait3A_295 = arith.constant 0 : i32
      %dma_wait3A_296 = arith.constant 0 : i32
      %dma_wait3A_297 = tpu.memref_slice %arg5[%dma_wait3A_295, %dma_wait3A_296] : memref<392x128xf32, #tpu.memory_space<vmem>> -> memref<392x128xf32, #tpu.memory_space<vmem>>
      %dma_wait3A_298 = arith.constant 0 : i32
      %dma_wait3A_299 = tpu.memref_slice %arg3[%add3A_240, %dma_wait3A_298] : memref<100000x128xf32, #tpu.memory_space<hbm>> -> memref<392x128xf32, #tpu.memory_space<hbm>>
      %dma_wait3A_300 = arith.constant 0 : i32
      %dma_wait3A_301 = tpu.memref_slice %arg3[%add3A_240, %dma_wait3A_300] : memref<100000x128xf32, #tpu.memory_space<hbm>> -> memref<392x128xf32, #tpu.memory_space<hbm>>
      %dma_wait3A_302 = arith.constant 0 : i32
      %dma_wait3A_303 = arith.constant 0 : i32
      %dma_wait3A_304 = tpu.memref_slice %arg5[%dma_wait3A_302, %dma_wait3A_303] : memref<392x128xf32, #tpu.memory_space<vmem>> -> memref<392x128xf32, #tpu.memory_space<vmem>>
      tpu.wait_dma2 semaphore(%arg9 : memref<!tpu.dma_semaphore, #tpu.memory_space<semaphore_mem>>) src(%dma_wait3A_304 : memref<392x128xf32, #tpu.memory_space<vmem>>) dst(%dma_wait3A_301 : memref<392x128xf32, #tpu.memory_space<hbm>>)
      %add3A_305 = arith.constant 2744 : i32
      %add3A_306 = arith.addi %multiple_of3A, %add3A_305 : i32
      %dma_start3A_307 = arith.constant 0 : i32
      %dma_start3A_308 = arith.constant 0 : i32
      %dma_start3A_309 = tpu.memref_slice %arg5[%dma_start3A_307, %dma_start3A_308] : memref<392x128xf32, #tpu.memory_space<vmem>> -> memref<384x128xf32, #tpu.memory_space<vmem>>
      %dma_start3A_310 = arith.constant 0 : i32
      %dma_start3A_311 = tpu.memref_slice %arg2[%add3A_306, %dma_start3A_310] : memref<100000x128xf32, #tpu.memory_space<hbm>> -> memref<384x128xf32, #tpu.memory_space<hbm>>
      %dma_start3A_312 = arith.constant 0 : i32
      %dma_start3A_313 = arith.constant 0 : i32
      %dma_start3A_314 = tpu.memref_slice %arg5[%dma_start3A_312, %dma_start3A_313] : memref<392x128xf32, #tpu.memory_space<vmem>> -> memref<384x128xf32, #tpu.memory_space<vmem>>
      %dma_start3A_315 = arith.constant 0 : i32
      %dma_start3A_316 = tpu.memref_slice %arg2[%add3A_306, %dma_start3A_315] : memref<100000x128xf32, #tpu.memory_space<hbm>> -> memref<384x128xf32, #tpu.memory_space<hbm>>
      tpu.enqueue_dma source(%dma_start3A_316 : memref<384x128xf32, #tpu.memory_space<hbm>>) target(%dma_start3A_314 : memref<384x128xf32, #tpu.memory_space<vmem>>) target_semaphore(%arg7 : memref<!tpu.dma_semaphore, #tpu.memory_space<semaphore_mem>>)
      %dma_wait3A_317 = arith.constant 0 : i32
      %dma_wait3A_318 = arith.constant 0 : i32
      %dma_wait3A_319 = tpu.memref_slice %arg5[%dma_wait3A_317, %dma_wait3A_318] : memref<392x128xf32, #tpu.memory_space<vmem>> -> memref<384x128xf32, #tpu.memory_space<vmem>>
      %dma_wait3A_320 = arith.constant 0 : i32
      %dma_wait3A_321 = tpu.memref_slice %arg2[%add3A_306, %dma_wait3A_320] : memref<100000x128xf32, #tpu.memory_space<hbm>> -> memref<384x128xf32, #tpu.memory_space<hbm>>
      %dma_wait3A_322 = arith.constant 0 : i32
      %dma_wait3A_323 = arith.constant 0 : i32
      %dma_wait3A_324 = tpu.memref_slice %arg5[%dma_wait3A_322, %dma_wait3A_323] : memref<392x128xf32, #tpu.memory_space<vmem>> -> memref<384x128xf32, #tpu.memory_space<vmem>>
      %dma_wait3A_325 = arith.constant 0 : i32
      %dma_wait3A_326 = tpu.memref_slice %arg2[%add3A_306, %dma_wait3A_325] : memref<100000x128xf32, #tpu.memory_space<hbm>> -> memref<384x128xf32, #tpu.memory_space<hbm>>
      tpu.wait_dma2 semaphore(%arg7 : memref<!tpu.dma_semaphore, #tpu.memory_space<semaphore_mem>>) src(%dma_wait3A_326 : memref<384x128xf32, #tpu.memory_space<hbm>>) dst(%dma_wait3A_324 : memref<384x128xf32, #tpu.memory_space<vmem>>)
      %add3A_327 = arith.constant 2744 : i32
      %add3A_328 = arith.addi %multiple_of3A, %add3A_327 : i32
      %dma_start3A_329 = arith.constant 0 : i32
      %dma_start3A_330 = arith.constant 0 : i32
      %dma_start3A_331 = tpu.memref_slice %arg5[%dma_start3A_329, %dma_start3A_330] : memref<392x128xf32, #tpu.memory_space<vmem>> -> memref<384x128xf32, #tpu.memory_space<vmem>>
      %dma_start3A_332 = arith.constant 0 : i32
      %dma_start3A_333 = tpu.memref_slice %arg3[%add3A_328, %dma_start3A_332] : memref<100000x128xf32, #tpu.memory_space<hbm>> -> memref<384x128xf32, #tpu.memory_space<hbm>>
      %dma_start3A_334 = arith.constant 0 : i32
      %dma_start3A_335 = tpu.memref_slice %arg3[%add3A_328, %dma_start3A_334] : memref<100000x128xf32, #tpu.memory_space<hbm>> -> memref<384x128xf32, #tpu.memory_space<hbm>>
      %dma_start3A_336 = arith.constant 0 : i32
      %dma_start3A_337 = arith.constant 0 : i32
      %dma_start3A_338 = tpu.memref_slice %arg5[%dma_start3A_336, %dma_start3A_337] : memref<392x128xf32, #tpu.memory_space<vmem>> -> memref<384x128xf32, #tpu.memory_space<vmem>>
      tpu.enqueue_dma source(%dma_start3A_338 : memref<384x128xf32, #tpu.memory_space<vmem>>) target(%dma_start3A_335 : memref<384x128xf32, #tpu.memory_space<hbm>>) target_semaphore(%arg9 : memref<!tpu.dma_semaphore, #tpu.memory_space<semaphore_mem>>)
      %dma_wait3A_339 = arith.constant 0 : i32
      %dma_wait3A_340 = arith.constant 0 : i32
      %dma_wait3A_341 = tpu.memref_slice %arg4[%dma_wait3A_339, %dma_wait3A_340] : memref<392x128xf32, #tpu.memory_space<vmem>> -> memref<392x128xf32, #tpu.memory_space<vmem>>
      %dma_wait3A_342 = arith.constant 0 : i32
      %dma_wait3A_343 = tpu.memref_slice %arg3[%add3A_284, %dma_wait3A_342] : memref<100000x128xf32, #tpu.memory_space<hbm>> -> memref<392x128xf32, #tpu.memory_space<hbm>>
      %dma_wait3A_344 = arith.constant 0 : i32
      %dma_wait3A_345 = tpu.memref_slice %arg3[%add3A_284, %dma_wait3A_344] : memref<100000x128xf32, #tpu.memory_space<hbm>> -> memref<392x128xf32, #tpu.memory_space<hbm>>
      %dma_wait3A_346 = arith.constant 0 : i32
      %dma_wait3A_347 = arith.constant 0 : i32
      %dma_wait3A_348 = tpu.memref_slice %arg4[%dma_wait3A_346, %dma_wait3A_347] : memref<392x128xf32, #tpu.memory_space<vmem>> -> memref<392x128xf32, #tpu.memory_space<vmem>>
      tpu.wait_dma2 semaphore(%arg8 : memref<!tpu.dma_semaphore, #tpu.memory_space<semaphore_mem>>) src(%dma_wait3A_348 : memref<392x128xf32, #tpu.memory_space<vmem>>) dst(%dma_wait3A_345 : memref<392x128xf32, #tpu.memory_space<hbm>>)
      %dma_wait3A_349 = arith.constant 0 : i32
      %dma_wait3A_350 = arith.constant 0 : i32
      %dma_wait3A_351 = tpu.memref_slice %arg5[%dma_wait3A_349, %dma_wait3A_350] : memref<392x128xf32, #tpu.memory_space<vmem>> -> memref<384x128xf32, #tpu.memory_space<vmem>>
      %dma_wait3A_352 = arith.constant 0 : i32
      %dma_wait3A_353 = tpu.memref_slice %arg3[%add3A_328, %dma_wait3A_352] : memref<100000x128xf32, #tpu.memory_space<hbm>> -> memref<384x128xf32, #tpu.memory_space<hbm>>
      %dma_wait3A_354 = arith.constant 0 : i32
      %dma_wait3A_355 = tpu.memref_slice %arg3[%add3A_328, %dma_wait3A_354] : memref<100000x128xf32, #tpu.memory_space<hbm>> -> memref<384x128xf32, #tpu.memory_space<hbm>>
      %dma_wait3A_356 = arith.constant 0 : i32
      %dma_wait3A_357 = arith.constant 0 : i32
      %dma_wait3A_358 = tpu.memref_slice %arg5[%dma_wait3A_356, %dma_wait3A_357] : memref<392x128xf32, #tpu.memory_space<vmem>> -> memref<384x128xf32, #tpu.memory_space<vmem>>
      tpu.wait_dma2 semaphore(%arg9 : memref<!tpu.dma_semaphore, #tpu.memory_space<semaphore_mem>>) src(%dma_wait3A_358 : memref<384x128xf32, #tpu.memory_space<vmem>>) dst(%dma_wait3A_355 : memref<384x128xf32, #tpu.memory_space<hbm>>)
    } else {
    }
    %eq3A = arith.constant 31 : i32
    %eq3A_5 = arith.cmpi eq, %add3A, %eq3A : i32
    %convert_element_type3A_6 = arith.extui %eq3A_5 : i1 to i32
    %cond3A_7 = arith.constant 0 : i32
    %cond3A_8 = arith.cmpi ne, %convert_element_type3A_6, %cond3A_7 : i32
    scf.if %cond3A_8 {
      %add3A_9 = arith.constant 0 : i32
      %add3A_10 = arith.addi %multiple_of3A, %add3A_9 : i32
      %dma_start3A = arith.constant 0 : i32
      %dma_start3A_11 = arith.constant 0 : i32
      %dma_start3A_12 = tpu.memref_slice %arg4[%dma_start3A, %dma_start3A_11] : memref<392x128xf32, #tpu.memory_space<vmem>> -> memref<392x128xf32, #tpu.memory_space<vmem>>
      %dma_start3A_13 = arith.constant 0 : i32
      %dma_start3A_14 = tpu.memref_slice %arg2[%add3A_10, %dma_start3A_13] : memref<100000x128xf32, #tpu.memory_space<hbm>> -> memref<392x128xf32, #tpu.memory_space<hbm>>
      %dma_start3A_15 = arith.constant 0 : i32
      %dma_start3A_16 = arith.constant 0 : i32
      %dma_start3A_17 = tpu.memref_slice %arg4[%dma_start3A_15, %dma_start3A_16] : memref<392x128xf32, #tpu.memory_space<vmem>> -> memref<392x128xf32, #tpu.memory_space<vmem>>
      %dma_start3A_18 = arith.constant 0 : i32
      %dma_start3A_19 = tpu.memref_slice %arg2[%add3A_10, %dma_start3A_18] : memref<100000x128xf32, #tpu.memory_space<hbm>> -> memref<392x128xf32, #tpu.memory_space<hbm>>
      tpu.enqueue_dma source(%dma_start3A_19 : memref<392x128xf32, #tpu.memory_space<hbm>>) target(%dma_start3A_17 : memref<392x128xf32, #tpu.memory_space<vmem>>) target_semaphore(%arg6 : memref<!tpu.dma_semaphore, #tpu.memory_space<semaphore_mem>>)
      %dma_wait3A = arith.constant 0 : i32
      %dma_wait3A_20 = arith.constant 0 : i32
      %dma_wait3A_21 = tpu.memref_slice %arg4[%dma_wait3A, %dma_wait3A_20] : memref<392x128xf32, #tpu.memory_space<vmem>> -> memref<392x128xf32, #tpu.memory_space<vmem>>
      %dma_wait3A_22 = arith.constant 0 : i32
      %dma_wait3A_23 = tpu.memref_slice %arg2[%add3A_10, %dma_wait3A_22] : memref<100000x128xf32, #tpu.memory_space<hbm>> -> memref<392x128xf32, #tpu.memory_space<hbm>>
      %dma_wait3A_24 = arith.constant 0 : i32
      %dma_wait3A_25 = arith.constant 0 : i32
      %dma_wait3A_26 = tpu.memref_slice %arg4[%dma_wait3A_24, %dma_wait3A_25] : memref<392x128xf32, #tpu.memory_space<vmem>> -> memref<392x128xf32, #tpu.memory_space<vmem>>
      %dma_wait3A_27 = arith.constant 0 : i32
      %dma_wait3A_28 = tpu.memref_slice %arg2[%add3A_10, %dma_wait3A_27] : memref<100000x128xf32, #tpu.memory_space<hbm>> -> memref<392x128xf32, #tpu.memory_space<hbm>>
      tpu.wait_dma2 semaphore(%arg6 : memref<!tpu.dma_semaphore, #tpu.memory_space<semaphore_mem>>) src(%dma_wait3A_28 : memref<392x128xf32, #tpu.memory_space<hbm>>) dst(%dma_wait3A_26 : memref<392x128xf32, #tpu.memory_space<vmem>>)
      %add3A_29 = arith.constant 0 : i32
      %add3A_30 = arith.addi %multiple_of3A, %add3A_29 : i32
      %dma_start3A_31 = arith.constant 0 : i32
      %dma_start3A_32 = arith.constant 0 : i32
      %dma_start3A_33 = tpu.memref_slice %arg4[%dma_start3A_31, %dma_start3A_32] : memref<392x128xf32, #tpu.memory_space<vmem>> -> memref<392x128xf32, #tpu.memory_space<vmem>>
      %dma_start3A_34 = arith.constant 0 : i32
      %dma_start3A_35 = tpu.memref_slice %arg3[%add3A_30, %dma_start3A_34] : memref<100000x128xf32, #tpu.memory_space<hbm>> -> memref<392x128xf32, #tpu.memory_space<hbm>>
      %dma_start3A_36 = arith.constant 0 : i32
      %dma_start3A_37 = tpu.memref_slice %arg3[%add3A_30, %dma_start3A_36] : memref<100000x128xf32, #tpu.memory_space<hbm>> -> memref<392x128xf32, #tpu.memory_space<hbm>>
      %dma_start3A_38 = arith.constant 0 : i32
      %dma_start3A_39 = arith.constant 0 : i32
      %dma_start3A_40 = tpu.memref_slice %arg4[%dma_start3A_38, %dma_start3A_39] : memref<392x128xf32, #tpu.memory_space<vmem>> -> memref<392x128xf32, #tpu.memory_space<vmem>>
      tpu.enqueue_dma source(%dma_start3A_40 : memref<392x128xf32, #tpu.memory_space<vmem>>) target(%dma_start3A_37 : memref<392x128xf32, #tpu.memory_space<hbm>>) target_semaphore(%arg8 : memref<!tpu.dma_semaphore, #tpu.memory_space<semaphore_mem>>)
      %add3A_41 = arith.constant 392 : i32
      %add3A_42 = arith.addi %multiple_of3A, %add3A_41 : i32
      %dma_start3A_43 = arith.constant 0 : i32
      %dma_start3A_44 = arith.constant 0 : i32
      %dma_start3A_45 = tpu.memref_slice %arg5[%dma_start3A_43, %dma_start3A_44] : memref<392x128xf32, #tpu.memory_space<vmem>> -> memref<392x128xf32, #tpu.memory_space<vmem>>
      %dma_start3A_46 = arith.constant 0 : i32
      %dma_start3A_47 = tpu.memref_slice %arg2[%add3A_42, %dma_start3A_46] : memref<100000x128xf32, #tpu.memory_space<hbm>> -> memref<392x128xf32, #tpu.memory_space<hbm>>
      %dma_start3A_48 = arith.constant 0 : i32
      %dma_start3A_49 = arith.constant 0 : i32
      %dma_start3A_50 = tpu.memref_slice %arg5[%dma_start3A_48, %dma_start3A_49] : memref<392x128xf32, #tpu.memory_space<vmem>> -> memref<392x128xf32, #tpu.memory_space<vmem>>
      %dma_start3A_51 = arith.constant 0 : i32
      %dma_start3A_52 = tpu.memref_slice %arg2[%add3A_42, %dma_start3A_51] : memref<100000x128xf32, #tpu.memory_space<hbm>> -> memref<392x128xf32, #tpu.memory_space<hbm>>
      tpu.enqueue_dma source(%dma_start3A_52 : memref<392x128xf32, #tpu.memory_space<hbm>>) target(%dma_start3A_50 : memref<392x128xf32, #tpu.memory_space<vmem>>) target_semaphore(%arg7 : memref<!tpu.dma_semaphore, #tpu.memory_space<semaphore_mem>>)
      %dma_wait3A_53 = arith.constant 0 : i32
      %dma_wait3A_54 = arith.constant 0 : i32
      %dma_wait3A_55 = tpu.memref_slice %arg5[%dma_wait3A_53, %dma_wait3A_54] : memref<392x128xf32, #tpu.memory_space<vmem>> -> memref<392x128xf32, #tpu.memory_space<vmem>>
      %dma_wait3A_56 = arith.constant 0 : i32
      %dma_wait3A_57 = tpu.memref_slice %arg2[%add3A_42, %dma_wait3A_56] : memref<100000x128xf32, #tpu.memory_space<hbm>> -> memref<392x128xf32, #tpu.memory_space<hbm>>
      %dma_wait3A_58 = arith.constant 0 : i32
      %dma_wait3A_59 = arith.constant 0 : i32
      %dma_wait3A_60 = tpu.memref_slice %arg5[%dma_wait3A_58, %dma_wait3A_59] : memref<392x128xf32, #tpu.memory_space<vmem>> -> memref<392x128xf32, #tpu.memory_space<vmem>>
      %dma_wait3A_61 = arith.constant 0 : i32
      %dma_wait3A_62 = tpu.memref_slice %arg2[%add3A_42, %dma_wait3A_61] : memref<100000x128xf32, #tpu.memory_space<hbm>> -> memref<392x128xf32, #tpu.memory_space<hbm>>
      tpu.wait_dma2 semaphore(%arg7 : memref<!tpu.dma_semaphore, #tpu.memory_space<semaphore_mem>>) src(%dma_wait3A_62 : memref<392x128xf32, #tpu.memory_space<hbm>>) dst(%dma_wait3A_60 : memref<392x128xf32, #tpu.memory_space<vmem>>)
      %add3A_63 = arith.constant 392 : i32
      %add3A_64 = arith.addi %multiple_of3A, %add3A_63 : i32
      %dma_start3A_65 = arith.constant 0 : i32
      %dma_start3A_66 = arith.constant 0 : i32
      %dma_start3A_67 = tpu.memref_slice %arg5[%dma_start3A_65, %dma_start3A_66] : memref<392x128xf32, #tpu.memory_space<vmem>> -> memref<392x128xf32, #tpu.memory_space<vmem>>
      %dma_start3A_68 = arith.constant 0 : i32
      %dma_start3A_69 = tpu.memref_slice %arg3[%add3A_64, %dma_start3A_68] : memref<100000x128xf32, #tpu.memory_space<hbm>> -> memref<392x128xf32, #tpu.memory_space<hbm>>
      %dma_start3A_70 = arith.constant 0 : i32
      %dma_start3A_71 = tpu.memref_slice %arg3[%add3A_64, %dma_start3A_70] : memref<100000x128xf32, #tpu.memory_space<hbm>> -> memref<392x128xf32, #tpu.memory_space<hbm>>
      %dma_start3A_72 = arith.constant 0 : i32
      %dma_start3A_73 = arith.constant 0 : i32
      %dma_start3A_74 = tpu.memref_slice %arg5[%dma_start3A_72, %dma_start3A_73] : memref<392x128xf32, #tpu.memory_space<vmem>> -> memref<392x128xf32, #tpu.memory_space<vmem>>
      tpu.enqueue_dma source(%dma_start3A_74 : memref<392x128xf32, #tpu.memory_space<vmem>>) target(%dma_start3A_71 : memref<392x128xf32, #tpu.memory_space<hbm>>) target_semaphore(%arg9 : memref<!tpu.dma_semaphore, #tpu.memory_space<semaphore_mem>>)
      %dma_wait3A_75 = arith.constant 0 : i32
      %dma_wait3A_76 = arith.constant 0 : i32
      %dma_wait3A_77 = tpu.memref_slice %arg4[%dma_wait3A_75, %dma_wait3A_76] : memref<392x128xf32, #tpu.memory_space<vmem>> -> memref<392x128xf32, #tpu.memory_space<vmem>>
      %dma_wait3A_78 = arith.constant 0 : i32
      %dma_wait3A_79 = tpu.memref_slice %arg3[%add3A_30, %dma_wait3A_78] : memref<100000x128xf32, #tpu.memory_space<hbm>> -> memref<392x128xf32, #tpu.memory_space<hbm>>
      %dma_wait3A_80 = arith.constant 0 : i32
      %dma_wait3A_81 = tpu.memref_slice %arg3[%add3A_30, %dma_wait3A_80] : memref<100000x128xf32, #tpu.memory_space<hbm>> -> memref<392x128xf32, #tpu.memory_space<hbm>>
      %dma_wait3A_82 = arith.constant 0 : i32
      %dma_wait3A_83 = arith.constant 0 : i32
      %dma_wait3A_84 = tpu.memref_slice %arg4[%dma_wait3A_82, %dma_wait3A_83] : memref<392x128xf32, #tpu.memory_space<vmem>> -> memref<392x128xf32, #tpu.memory_space<vmem>>
      tpu.wait_dma2 semaphore(%arg8 : memref<!tpu.dma_semaphore, #tpu.memory_space<semaphore_mem>>) src(%dma_wait3A_84 : memref<392x128xf32, #tpu.memory_space<vmem>>) dst(%dma_wait3A_81 : memref<392x128xf32, #tpu.memory_space<hbm>>)
      %add3A_85 = arith.constant 784 : i32
      %add3A_86 = arith.addi %multiple_of3A, %add3A_85 : i32
      %dma_start3A_87 = arith.constant 0 : i32
      %dma_start3A_88 = arith.constant 0 : i32
      %dma_start3A_89 = tpu.memref_slice %arg4[%dma_start3A_87, %dma_start3A_88] : memref<392x128xf32, #tpu.memory_space<vmem>> -> memref<392x128xf32, #tpu.memory_space<vmem>>
      %dma_start3A_90 = arith.constant 0 : i32
      %dma_start3A_91 = tpu.memref_slice %arg2[%add3A_86, %dma_start3A_90] : memref<100000x128xf32, #tpu.memory_space<hbm>> -> memref<392x128xf32, #tpu.memory_space<hbm>>
      %dma_start3A_92 = arith.constant 0 : i32
      %dma_start3A_93 = arith.constant 0 : i32
      %dma_start3A_94 = tpu.memref_slice %arg4[%dma_start3A_92, %dma_start3A_93] : memref<392x128xf32, #tpu.memory_space<vmem>> -> memref<392x128xf32, #tpu.memory_space<vmem>>
      %dma_start3A_95 = arith.constant 0 : i32
      %dma_start3A_96 = tpu.memref_slice %arg2[%add3A_86, %dma_start3A_95] : memref<100000x128xf32, #tpu.memory_space<hbm>> -> memref<392x128xf32, #tpu.memory_space<hbm>>
      tpu.enqueue_dma source(%dma_start3A_96 : memref<392x128xf32, #tpu.memory_space<hbm>>) target(%dma_start3A_94 : memref<392x128xf32, #tpu.memory_space<vmem>>) target_semaphore(%arg6 : memref<!tpu.dma_semaphore, #tpu.memory_space<semaphore_mem>>)
      %dma_wait3A_97 = arith.constant 0 : i32
      %dma_wait3A_98 = arith.constant 0 : i32
      %dma_wait3A_99 = tpu.memref_slice %arg4[%dma_wait3A_97, %dma_wait3A_98] : memref<392x128xf32, #tpu.memory_space<vmem>> -> memref<392x128xf32, #tpu.memory_space<vmem>>
      %dma_wait3A_100 = arith.constant 0 : i32
      %dma_wait3A_101 = tpu.memref_slice %arg2[%add3A_86, %dma_wait3A_100] : memref<100000x128xf32, #tpu.memory_space<hbm>> -> memref<392x128xf32, #tpu.memory_space<hbm>>
      %dma_wait3A_102 = arith.constant 0 : i32
      %dma_wait3A_103 = arith.constant 0 : i32
      %dma_wait3A_104 = tpu.memref_slice %arg4[%dma_wait3A_102, %dma_wait3A_103] : memref<392x128xf32, #tpu.memory_space<vmem>> -> memref<392x128xf32, #tpu.memory_space<vmem>>
      %dma_wait3A_105 = arith.constant 0 : i32
      %dma_wait3A_106 = tpu.memref_slice %arg2[%add3A_86, %dma_wait3A_105] : memref<100000x128xf32, #tpu.memory_space<hbm>> -> memref<392x128xf32, #tpu.memory_space<hbm>>
      tpu.wait_dma2 semaphore(%arg6 : memref<!tpu.dma_semaphore, #tpu.memory_space<semaphore_mem>>) src(%dma_wait3A_106 : memref<392x128xf32, #tpu.memory_space<hbm>>) dst(%dma_wait3A_104 : memref<392x128xf32, #tpu.memory_space<vmem>>)
      %add3A_107 = arith.constant 784 : i32
      %add3A_108 = arith.addi %multiple_of3A, %add3A_107 : i32
      %dma_start3A_109 = arith.constant 0 : i32
      %dma_start3A_110 = arith.constant 0 : i32
      %dma_start3A_111 = tpu.memref_slice %arg4[%dma_start3A_109, %dma_start3A_110] : memref<392x128xf32, #tpu.memory_space<vmem>> -> memref<392x128xf32, #tpu.memory_space<vmem>>
      %dma_start3A_112 = arith.constant 0 : i32
      %dma_start3A_113 = tpu.memref_slice %arg3[%add3A_108, %dma_start3A_112] : memref<100000x128xf32, #tpu.memory_space<hbm>> -> memref<392x128xf32, #tpu.memory_space<hbm>>
      %dma_start3A_114 = arith.constant 0 : i32
      %dma_start3A_115 = tpu.memref_slice %arg3[%add3A_108, %dma_start3A_114] : memref<100000x128xf32, #tpu.memory_space<hbm>> -> memref<392x128xf32, #tpu.memory_space<hbm>>
      %dma_start3A_116 = arith.constant 0 : i32
      %dma_start3A_117 = arith.constant 0 : i32
      %dma_start3A_118 = tpu.memref_slice %arg4[%dma_start3A_116, %dma_start3A_117] : memref<392x128xf32, #tpu.memory_space<vmem>> -> memref<392x128xf32, #tpu.memory_space<vmem>>
      tpu.enqueue_dma source(%dma_start3A_118 : memref<392x128xf32, #tpu.memory_space<vmem>>) target(%dma_start3A_115 : memref<392x128xf32, #tpu.memory_space<hbm>>) target_semaphore(%arg8 : memref<!tpu.dma_semaphore, #tpu.memory_space<semaphore_mem>>)
      %dma_wait3A_119 = arith.constant 0 : i32
      %dma_wait3A_120 = arith.constant 0 : i32
      %dma_wait3A_121 = tpu.memref_slice %arg5[%dma_wait3A_119, %dma_wait3A_120] : memref<392x128xf32, #tpu.memory_space<vmem>> -> memref<392x128xf32, #tpu.memory_space<vmem>>
      %dma_wait3A_122 = arith.constant 0 : i32
      %dma_wait3A_123 = tpu.memref_slice %arg3[%add3A_64, %dma_wait3A_122] : memref<100000x128xf32, #tpu.memory_space<hbm>> -> memref<392x128xf32, #tpu.memory_space<hbm>>
      %dma_wait3A_124 = arith.constant 0 : i32
      %dma_wait3A_125 = tpu.memref_slice %arg3[%add3A_64, %dma_wait3A_124] : memref<100000x128xf32, #tpu.memory_space<hbm>> -> memref<392x128xf32, #tpu.memory_space<hbm>>
      %dma_wait3A_126 = arith.constant 0 : i32
      %dma_wait3A_127 = arith.constant 0 : i32
      %dma_wait3A_128 = tpu.memref_slice %arg5[%dma_wait3A_126, %dma_wait3A_127] : memref<392x128xf32, #tpu.memory_space<vmem>> -> memref<392x128xf32, #tpu.memory_space<vmem>>
      tpu.wait_dma2 semaphore(%arg9 : memref<!tpu.dma_semaphore, #tpu.memory_space<semaphore_mem>>) src(%dma_wait3A_128 : memref<392x128xf32, #tpu.memory_space<vmem>>) dst(%dma_wait3A_125 : memref<392x128xf32, #tpu.memory_space<hbm>>)
      %add3A_129 = arith.constant 1176 : i32
      %add3A_130 = arith.addi %multiple_of3A, %add3A_129 : i32
      %dma_start3A_131 = arith.constant 0 : i32
      %dma_start3A_132 = arith.constant 0 : i32
      %dma_start3A_133 = tpu.memref_slice %arg5[%dma_start3A_131, %dma_start3A_132] : memref<392x128xf32, #tpu.memory_space<vmem>> -> memref<392x128xf32, #tpu.memory_space<vmem>>
      %dma_start3A_134 = arith.constant 0 : i32
      %dma_start3A_135 = tpu.memref_slice %arg2[%add3A_130, %dma_start3A_134] : memref<100000x128xf32, #tpu.memory_space<hbm>> -> memref<392x128xf32, #tpu.memory_space<hbm>>
      %dma_start3A_136 = arith.constant 0 : i32
      %dma_start3A_137 = arith.constant 0 : i32
      %dma_start3A_138 = tpu.memref_slice %arg5[%dma_start3A_136, %dma_start3A_137] : memref<392x128xf32, #tpu.memory_space<vmem>> -> memref<392x128xf32, #tpu.memory_space<vmem>>
      %dma_start3A_139 = arith.constant 0 : i32
      %dma_start3A_140 = tpu.memref_slice %arg2[%add3A_130, %dma_start3A_139] : memref<100000x128xf32, #tpu.memory_space<hbm>> -> memref<392x128xf32, #tpu.memory_space<hbm>>
      tpu.enqueue_dma source(%dma_start3A_140 : memref<392x128xf32, #tpu.memory_space<hbm>>) target(%dma_start3A_138 : memref<392x128xf32, #tpu.memory_space<vmem>>) target_semaphore(%arg7 : memref<!tpu.dma_semaphore, #tpu.memory_space<semaphore_mem>>)
      %dma_wait3A_141 = arith.constant 0 : i32
      %dma_wait3A_142 = arith.constant 0 : i32
      %dma_wait3A_143 = tpu.memref_slice %arg5[%dma_wait3A_141, %dma_wait3A_142] : memref<392x128xf32, #tpu.memory_space<vmem>> -> memref<392x128xf32, #tpu.memory_space<vmem>>
      %dma_wait3A_144 = arith.constant 0 : i32
      %dma_wait3A_145 = tpu.memref_slice %arg2[%add3A_130, %dma_wait3A_144] : memref<100000x128xf32, #tpu.memory_space<hbm>> -> memref<392x128xf32, #tpu.memory_space<hbm>>
      %dma_wait3A_146 = arith.constant 0 : i32
      %dma_wait3A_147 = arith.constant 0 : i32
      %dma_wait3A_148 = tpu.memref_slice %arg5[%dma_wait3A_146, %dma_wait3A_147] : memref<392x128xf32, #tpu.memory_space<vmem>> -> memref<392x128xf32, #tpu.memory_space<vmem>>
      %dma_wait3A_149 = arith.constant 0 : i32
      %dma_wait3A_150 = tpu.memref_slice %arg2[%add3A_130, %dma_wait3A_149] : memref<100000x128xf32, #tpu.memory_space<hbm>> -> memref<392x128xf32, #tpu.memory_space<hbm>>
      tpu.wait_dma2 semaphore(%arg7 : memref<!tpu.dma_semaphore, #tpu.memory_space<semaphore_mem>>) src(%dma_wait3A_150 : memref<392x128xf32, #tpu.memory_space<hbm>>) dst(%dma_wait3A_148 : memref<392x128xf32, #tpu.memory_space<vmem>>)
      %add3A_151 = arith.constant 1176 : i32
      %add3A_152 = arith.addi %multiple_of3A, %add3A_151 : i32
      %dma_start3A_153 = arith.constant 0 : i32
      %dma_start3A_154 = arith.constant 0 : i32
      %dma_start3A_155 = tpu.memref_slice %arg5[%dma_start3A_153, %dma_start3A_154] : memref<392x128xf32, #tpu.memory_space<vmem>> -> memref<392x128xf32, #tpu.memory_space<vmem>>
      %dma_start3A_156 = arith.constant 0 : i32
      %dma_start3A_157 = tpu.memref_slice %arg3[%add3A_152, %dma_start3A_156] : memref<100000x128xf32, #tpu.memory_space<hbm>> -> memref<392x128xf32, #tpu.memory_space<hbm>>
      %dma_start3A_158 = arith.constant 0 : i32
      %dma_start3A_159 = tpu.memref_slice %arg3[%add3A_152, %dma_start3A_158] : memref<100000x128xf32, #tpu.memory_space<hbm>> -> memref<392x128xf32, #tpu.memory_space<hbm>>
      %dma_start3A_160 = arith.constant 0 : i32
      %dma_start3A_161 = arith.constant 0 : i32
      %dma_start3A_162 = tpu.memref_slice %arg5[%dma_start3A_160, %dma_start3A_161] : memref<392x128xf32, #tpu.memory_space<vmem>> -> memref<392x128xf32, #tpu.memory_space<vmem>>
      tpu.enqueue_dma source(%dma_start3A_162 : memref<392x128xf32, #tpu.memory_space<vmem>>) target(%dma_start3A_159 : memref<392x128xf32, #tpu.memory_space<hbm>>) target_semaphore(%arg9 : memref<!tpu.dma_semaphore, #tpu.memory_space<semaphore_mem>>)
      %dma_wait3A_163 = arith.constant 0 : i32
      %dma_wait3A_164 = arith.constant 0 : i32
      %dma_wait3A_165 = tpu.memref_slice %arg4[%dma_wait3A_163, %dma_wait3A_164] : memref<392x128xf32, #tpu.memory_space<vmem>> -> memref<392x128xf32, #tpu.memory_space<vmem>>
      %dma_wait3A_166 = arith.constant 0 : i32
      %dma_wait3A_167 = tpu.memref_slice %arg3[%add3A_108, %dma_wait3A_166] : memref<100000x128xf32, #tpu.memory_space<hbm>> -> memref<392x128xf32, #tpu.memory_space<hbm>>
      %dma_wait3A_168 = arith.constant 0 : i32
      %dma_wait3A_169 = tpu.memref_slice %arg3[%add3A_108, %dma_wait3A_168] : memref<100000x128xf32, #tpu.memory_space<hbm>> -> memref<392x128xf32, #tpu.memory_space<hbm>>
      %dma_wait3A_170 = arith.constant 0 : i32
      %dma_wait3A_171 = arith.constant 0 : i32
      %dma_wait3A_172 = tpu.memref_slice %arg4[%dma_wait3A_170, %dma_wait3A_171] : memref<392x128xf32, #tpu.memory_space<vmem>> -> memref<392x128xf32, #tpu.memory_space<vmem>>
      tpu.wait_dma2 semaphore(%arg8 : memref<!tpu.dma_semaphore, #tpu.memory_space<semaphore_mem>>) src(%dma_wait3A_172 : memref<392x128xf32, #tpu.memory_space<vmem>>) dst(%dma_wait3A_169 : memref<392x128xf32, #tpu.memory_space<hbm>>)
      %add3A_173 = arith.constant 1568 : i32
      %add3A_174 = arith.addi %multiple_of3A, %add3A_173 : i32
      %dma_start3A_175 = arith.constant 0 : i32
      %dma_start3A_176 = arith.constant 0 : i32
      %dma_start3A_177 = tpu.memref_slice %arg4[%dma_start3A_175, %dma_start3A_176] : memref<392x128xf32, #tpu.memory_space<vmem>> -> memref<392x128xf32, #tpu.memory_space<vmem>>
      %dma_start3A_178 = arith.constant 0 : i32
      %dma_start3A_179 = tpu.memref_slice %arg2[%add3A_174, %dma_start3A_178] : memref<100000x128xf32, #tpu.memory_space<hbm>> -> memref<392x128xf32, #tpu.memory_space<hbm>>
      %dma_start3A_180 = arith.constant 0 : i32
      %dma_start3A_181 = arith.constant 0 : i32
      %dma_start3A_182 = tpu.memref_slice %arg4[%dma_start3A_180, %dma_start3A_181] : memref<392x128xf32, #tpu.memory_space<vmem>> -> memref<392x128xf32, #tpu.memory_space<vmem>>
      %dma_start3A_183 = arith.constant 0 : i32
      %dma_start3A_184 = tpu.memref_slice %arg2[%add3A_174, %dma_start3A_183] : memref<100000x128xf32, #tpu.memory_space<hbm>> -> memref<392x128xf32, #tpu.memory_space<hbm>>
      tpu.enqueue_dma source(%dma_start3A_184 : memref<392x128xf32, #tpu.memory_space<hbm>>) target(%dma_start3A_182 : memref<392x128xf32, #tpu.memory_space<vmem>>) target_semaphore(%arg6 : memref<!tpu.dma_semaphore, #tpu.memory_space<semaphore_mem>>)
      %dma_wait3A_185 = arith.constant 0 : i32
      %dma_wait3A_186 = arith.constant 0 : i32
      %dma_wait3A_187 = tpu.memref_slice %arg4[%dma_wait3A_185, %dma_wait3A_186] : memref<392x128xf32, #tpu.memory_space<vmem>> -> memref<392x128xf32, #tpu.memory_space<vmem>>
      %dma_wait3A_188 = arith.constant 0 : i32
      %dma_wait3A_189 = tpu.memref_slice %arg2[%add3A_174, %dma_wait3A_188] : memref<100000x128xf32, #tpu.memory_space<hbm>> -> memref<392x128xf32, #tpu.memory_space<hbm>>
      %dma_wait3A_190 = arith.constant 0 : i32
      %dma_wait3A_191 = arith.constant 0 : i32
      %dma_wait3A_192 = tpu.memref_slice %arg4[%dma_wait3A_190, %dma_wait3A_191] : memref<392x128xf32, #tpu.memory_space<vmem>> -> memref<392x128xf32, #tpu.memory_space<vmem>>
      %dma_wait3A_193 = arith.constant 0 : i32
      %dma_wait3A_194 = tpu.memref_slice %arg2[%add3A_174, %dma_wait3A_193] : memref<100000x128xf32, #tpu.memory_space<hbm>> -> memref<392x128xf32, #tpu.memory_space<hbm>>
      tpu.wait_dma2 semaphore(%arg6 : memref<!tpu.dma_semaphore, #tpu.memory_space<semaphore_mem>>) src(%dma_wait3A_194 : memref<392x128xf32, #tpu.memory_space<hbm>>) dst(%dma_wait3A_192 : memref<392x128xf32, #tpu.memory_space<vmem>>)
      %add3A_195 = arith.constant 1568 : i32
      %add3A_196 = arith.addi %multiple_of3A, %add3A_195 : i32
      %dma_start3A_197 = arith.constant 0 : i32
      %dma_start3A_198 = arith.constant 0 : i32
      %dma_start3A_199 = tpu.memref_slice %arg4[%dma_start3A_197, %dma_start3A_198] : memref<392x128xf32, #tpu.memory_space<vmem>> -> memref<392x128xf32, #tpu.memory_space<vmem>>
      %dma_start3A_200 = arith.constant 0 : i32
      %dma_start3A_201 = tpu.memref_slice %arg3[%add3A_196, %dma_start3A_200] : memref<100000x128xf32, #tpu.memory_space<hbm>> -> memref<392x128xf32, #tpu.memory_space<hbm>>
      %dma_start3A_202 = arith.constant 0 : i32
      %dma_start3A_203 = tpu.memref_slice %arg3[%add3A_196, %dma_start3A_202] : memref<100000x128xf32, #tpu.memory_space<hbm>> -> memref<392x128xf32, #tpu.memory_space<hbm>>
      %dma_start3A_204 = arith.constant 0 : i32
      %dma_start3A_205 = arith.constant 0 : i32
      %dma_start3A_206 = tpu.memref_slice %arg4[%dma_start3A_204, %dma_start3A_205] : memref<392x128xf32, #tpu.memory_space<vmem>> -> memref<392x128xf32, #tpu.memory_space<vmem>>
      tpu.enqueue_dma source(%dma_start3A_206 : memref<392x128xf32, #tpu.memory_space<vmem>>) target(%dma_start3A_203 : memref<392x128xf32, #tpu.memory_space<hbm>>) target_semaphore(%arg8 : memref<!tpu.dma_semaphore, #tpu.memory_space<semaphore_mem>>)
      %dma_wait3A_207 = arith.constant 0 : i32
      %dma_wait3A_208 = arith.constant 0 : i32
      %dma_wait3A_209 = tpu.memref_slice %arg5[%dma_wait3A_207, %dma_wait3A_208] : memref<392x128xf32, #tpu.memory_space<vmem>> -> memref<392x128xf32, #tpu.memory_space<vmem>>
      %dma_wait3A_210 = arith.constant 0 : i32
      %dma_wait3A_211 = tpu.memref_slice %arg3[%add3A_152, %dma_wait3A_210] : memref<100000x128xf32, #tpu.memory_space<hbm>> -> memref<392x128xf32, #tpu.memory_space<hbm>>
      %dma_wait3A_212 = arith.constant 0 : i32
      %dma_wait3A_213 = tpu.memref_slice %arg3[%add3A_152, %dma_wait3A_212] : memref<100000x128xf32, #tpu.memory_space<hbm>> -> memref<392x128xf32, #tpu.memory_space<hbm>>
      %dma_wait3A_214 = arith.constant 0 : i32
      %dma_wait3A_215 = arith.constant 0 : i32
      %dma_wait3A_216 = tpu.memref_slice %arg5[%dma_wait3A_214, %dma_wait3A_215] : memref<392x128xf32, #tpu.memory_space<vmem>> -> memref<392x128xf32, #tpu.memory_space<vmem>>
      tpu.wait_dma2 semaphore(%arg9 : memref<!tpu.dma_semaphore, #tpu.memory_space<semaphore_mem>>) src(%dma_wait3A_216 : memref<392x128xf32, #tpu.memory_space<vmem>>) dst(%dma_wait3A_213 : memref<392x128xf32, #tpu.memory_space<hbm>>)
      %add3A_217 = arith.constant 1960 : i32
      %add3A_218 = arith.addi %multiple_of3A, %add3A_217 : i32
      %dma_start3A_219 = arith.constant 0 : i32
      %dma_start3A_220 = arith.constant 0 : i32
      %dma_start3A_221 = tpu.memref_slice %arg5[%dma_start3A_219, %dma_start3A_220] : memref<392x128xf32, #tpu.memory_space<vmem>> -> memref<392x128xf32, #tpu.memory_space<vmem>>
      %dma_start3A_222 = arith.constant 0 : i32
      %dma_start3A_223 = tpu.memref_slice %arg2[%add3A_218, %dma_start3A_222] : memref<100000x128xf32, #tpu.memory_space<hbm>> -> memref<392x128xf32, #tpu.memory_space<hbm>>
      %dma_start3A_224 = arith.constant 0 : i32
      %dma_start3A_225 = arith.constant 0 : i32
      %dma_start3A_226 = tpu.memref_slice %arg5[%dma_start3A_224, %dma_start3A_225] : memref<392x128xf32, #tpu.memory_space<vmem>> -> memref<392x128xf32, #tpu.memory_space<vmem>>
      %dma_start3A_227 = arith.constant 0 : i32
      %dma_start3A_228 = tpu.memref_slice %arg2[%add3A_218, %dma_start3A_227] : memref<100000x128xf32, #tpu.memory_space<hbm>> -> memref<392x128xf32, #tpu.memory_space<hbm>>
      tpu.enqueue_dma source(%dma_start3A_228 : memref<392x128xf32, #tpu.memory_space<hbm>>) target(%dma_start3A_226 : memref<392x128xf32, #tpu.memory_space<vmem>>) target_semaphore(%arg7 : memref<!tpu.dma_semaphore, #tpu.memory_space<semaphore_mem>>)
      %dma_wait3A_229 = arith.constant 0 : i32
      %dma_wait3A_230 = arith.constant 0 : i32
      %dma_wait3A_231 = tpu.memref_slice %arg5[%dma_wait3A_229, %dma_wait3A_230] : memref<392x128xf32, #tpu.memory_space<vmem>> -> memref<392x128xf32, #tpu.memory_space<vmem>>
      %dma_wait3A_232 = arith.constant 0 : i32
      %dma_wait3A_233 = tpu.memref_slice %arg2[%add3A_218, %dma_wait3A_232] : memref<100000x128xf32, #tpu.memory_space<hbm>> -> memref<392x128xf32, #tpu.memory_space<hbm>>
      %dma_wait3A_234 = arith.constant 0 : i32
      %dma_wait3A_235 = arith.constant 0 : i32
      %dma_wait3A_236 = tpu.memref_slice %arg5[%dma_wait3A_234, %dma_wait3A_235] : memref<392x128xf32, #tpu.memory_space<vmem>> -> memref<392x128xf32, #tpu.memory_space<vmem>>
      %dma_wait3A_237 = arith.constant 0 : i32
      %dma_wait3A_238 = tpu.memref_slice %arg2[%add3A_218, %dma_wait3A_237] : memref<100000x128xf32, #tpu.memory_space<hbm>> -> memref<392x128xf32, #tpu.memory_space<hbm>>
      tpu.wait_dma2 semaphore(%arg7 : memref<!tpu.dma_semaphore, #tpu.memory_space<semaphore_mem>>) src(%dma_wait3A_238 : memref<392x128xf32, #tpu.memory_space<hbm>>) dst(%dma_wait3A_236 : memref<392x128xf32, #tpu.memory_space<vmem>>)
      %add3A_239 = arith.constant 1960 : i32
      %add3A_240 = arith.addi %multiple_of3A, %add3A_239 : i32
      %dma_start3A_241 = arith.constant 0 : i32
      %dma_start3A_242 = arith.constant 0 : i32
      %dma_start3A_243 = tpu.memref_slice %arg5[%dma_start3A_241, %dma_start3A_242] : memref<392x128xf32, #tpu.memory_space<vmem>> -> memref<392x128xf32, #tpu.memory_space<vmem>>
      %dma_start3A_244 = arith.constant 0 : i32
      %dma_start3A_245 = tpu.memref_slice %arg3[%add3A_240, %dma_start3A_244] : memref<100000x128xf32, #tpu.memory_space<hbm>> -> memref<392x128xf32, #tpu.memory_space<hbm>>
      %dma_start3A_246 = arith.constant 0 : i32
      %dma_start3A_247 = tpu.memref_slice %arg3[%add3A_240, %dma_start3A_246] : memref<100000x128xf32, #tpu.memory_space<hbm>> -> memref<392x128xf32, #tpu.memory_space<hbm>>
      %dma_start3A_248 = arith.constant 0 : i32
      %dma_start3A_249 = arith.constant 0 : i32
      %dma_start3A_250 = tpu.memref_slice %arg5[%dma_start3A_248, %dma_start3A_249] : memref<392x128xf32, #tpu.memory_space<vmem>> -> memref<392x128xf32, #tpu.memory_space<vmem>>
      tpu.enqueue_dma source(%dma_start3A_250 : memref<392x128xf32, #tpu.memory_space<vmem>>) target(%dma_start3A_247 : memref<392x128xf32, #tpu.memory_space<hbm>>) target_semaphore(%arg9 : memref<!tpu.dma_semaphore, #tpu.memory_space<semaphore_mem>>)
      %dma_wait3A_251 = arith.constant 0 : i32
      %dma_wait3A_252 = arith.constant 0 : i32
      %dma_wait3A_253 = tpu.memref_slice %arg4[%dma_wait3A_251, %dma_wait3A_252] : memref<392x128xf32, #tpu.memory_space<vmem>> -> memref<392x128xf32, #tpu.memory_space<vmem>>
      %dma_wait3A_254 = arith.constant 0 : i32
      %dma_wait3A_255 = tpu.memref_slice %arg3[%add3A_196, %dma_wait3A_254] : memref<100000x128xf32, #tpu.memory_space<hbm>> -> memref<392x128xf32, #tpu.memory_space<hbm>>
      %dma_wait3A_256 = arith.constant 0 : i32
      %dma_wait3A_257 = tpu.memref_slice %arg3[%add3A_196, %dma_wait3A_256] : memref<100000x128xf32, #tpu.memory_space<hbm>> -> memref<392x128xf32, #tpu.memory_space<hbm>>
      %dma_wait3A_258 = arith.constant 0 : i32
      %dma_wait3A_259 = arith.constant 0 : i32
      %dma_wait3A_260 = tpu.memref_slice %arg4[%dma_wait3A_258, %dma_wait3A_259] : memref<392x128xf32, #tpu.memory_space<vmem>> -> memref<392x128xf32, #tpu.memory_space<vmem>>
      tpu.wait_dma2 semaphore(%arg8 : memref<!tpu.dma_semaphore, #tpu.memory_space<semaphore_mem>>) src(%dma_wait3A_260 : memref<392x128xf32, #tpu.memory_space<vmem>>) dst(%dma_wait3A_257 : memref<392x128xf32, #tpu.memory_space<hbm>>)
      %add3A_261 = arith.constant 2352 : i32
      %add3A_262 = arith.addi %multiple_of3A, %add3A_261 : i32
      %dma_start3A_263 = arith.constant 0 : i32
      %dma_start3A_264 = arith.constant 0 : i32
      %dma_start3A_265 = tpu.memref_slice %arg4[%dma_start3A_263, %dma_start3A_264] : memref<392x128xf32, #tpu.memory_space<vmem>> -> memref<392x128xf32, #tpu.memory_space<vmem>>
      %dma_start3A_266 = arith.constant 0 : i32
      %dma_start3A_267 = tpu.memref_slice %arg2[%add3A_262, %dma_start3A_266] : memref<100000x128xf32, #tpu.memory_space<hbm>> -> memref<392x128xf32, #tpu.memory_space<hbm>>
      %dma_start3A_268 = arith.constant 0 : i32
      %dma_start3A_269 = arith.constant 0 : i32
      %dma_start3A_270 = tpu.memref_slice %arg4[%dma_start3A_268, %dma_start3A_269] : memref<392x128xf32, #tpu.memory_space<vmem>> -> memref<392x128xf32, #tpu.memory_space<vmem>>
      %dma_start3A_271 = arith.constant 0 : i32
      %dma_start3A_272 = tpu.memref_slice %arg2[%add3A_262, %dma_start3A_271] : memref<100000x128xf32, #tpu.memory_space<hbm>> -> memref<392x128xf32, #tpu.memory_space<hbm>>
      tpu.enqueue_dma source(%dma_start3A_272 : memref<392x128xf32, #tpu.memory_space<hbm>>) target(%dma_start3A_270 : memref<392x128xf32, #tpu.memory_space<vmem>>) target_semaphore(%arg6 : memref<!tpu.dma_semaphore, #tpu.memory_space<semaphore_mem>>)
      %dma_wait3A_273 = arith.constant 0 : i32
      %dma_wait3A_274 = arith.constant 0 : i32
      %dma_wait3A_275 = tpu.memref_slice %arg4[%dma_wait3A_273, %dma_wait3A_274] : memref<392x128xf32, #tpu.memory_space<vmem>> -> memref<392x128xf32, #tpu.memory_space<vmem>>
      %dma_wait3A_276 = arith.constant 0 : i32
      %dma_wait3A_277 = tpu.memref_slice %arg2[%add3A_262, %dma_wait3A_276] : memref<100000x128xf32, #tpu.memory_space<hbm>> -> memref<392x128xf32, #tpu.memory_space<hbm>>
      %dma_wait3A_278 = arith.constant 0 : i32
      %dma_wait3A_279 = arith.constant 0 : i32
      %dma_wait3A_280 = tpu.memref_slice %arg4[%dma_wait3A_278, %dma_wait3A_279] : memref<392x128xf32, #tpu.memory_space<vmem>> -> memref<392x128xf32, #tpu.memory_space<vmem>>
      %dma_wait3A_281 = arith.constant 0 : i32
      %dma_wait3A_282 = tpu.memref_slice %arg2[%add3A_262, %dma_wait3A_281] : memref<100000x128xf32, #tpu.memory_space<hbm>> -> memref<392x128xf32, #tpu.memory_space<hbm>>
      tpu.wait_dma2 semaphore(%arg6 : memref<!tpu.dma_semaphore, #tpu.memory_space<semaphore_mem>>) src(%dma_wait3A_282 : memref<392x128xf32, #tpu.memory_space<hbm>>) dst(%dma_wait3A_280 : memref<392x128xf32, #tpu.memory_space<vmem>>)
      %add3A_283 = arith.constant 2352 : i32
      %add3A_284 = arith.addi %multiple_of3A, %add3A_283 : i32
      %dma_start3A_285 = arith.constant 0 : i32
      %dma_start3A_286 = arith.constant 0 : i32
      %dma_start3A_287 = tpu.memref_slice %arg4[%dma_start3A_285, %dma_start3A_286] : memref<392x128xf32, #tpu.memory_space<vmem>> -> memref<392x128xf32, #tpu.memory_space<vmem>>
      %dma_start3A_288 = arith.constant 0 : i32
      %dma_start3A_289 = tpu.memref_slice %arg3[%add3A_284, %dma_start3A_288] : memref<100000x128xf32, #tpu.memory_space<hbm>> -> memref<392x128xf32, #tpu.memory_space<hbm>>
      %dma_start3A_290 = arith.constant 0 : i32
      %dma_start3A_291 = tpu.memref_slice %arg3[%add3A_284, %dma_start3A_290] : memref<100000x128xf32, #tpu.memory_space<hbm>> -> memref<392x128xf32, #tpu.memory_space<hbm>>
      %dma_start3A_292 = arith.constant 0 : i32
      %dma_start3A_293 = arith.constant 0 : i32
      %dma_start3A_294 = tpu.memref_slice %arg4[%dma_start3A_292, %dma_start3A_293] : memref<392x128xf32, #tpu.memory_space<vmem>> -> memref<392x128xf32, #tpu.memory_space<vmem>>
      tpu.enqueue_dma source(%dma_start3A_294 : memref<392x128xf32, #tpu.memory_space<vmem>>) target(%dma_start3A_291 : memref<392x128xf32, #tpu.memory_space<hbm>>) target_semaphore(%arg8 : memref<!tpu.dma_semaphore, #tpu.memory_space<semaphore_mem>>)
      %dma_wait3A_295 = arith.constant 0 : i32
      %dma_wait3A_296 = arith.constant 0 : i32
      %dma_wait3A_297 = tpu.memref_slice %arg5[%dma_wait3A_295, %dma_wait3A_296] : memref<392x128xf32, #tpu.memory_space<vmem>> -> memref<392x128xf32, #tpu.memory_space<vmem>>
      %dma_wait3A_298 = arith.constant 0 : i32
      %dma_wait3A_299 = tpu.memref_slice %arg3[%add3A_240, %dma_wait3A_298] : memref<100000x128xf32, #tpu.memory_space<hbm>> -> memref<392x128xf32, #tpu.memory_space<hbm>>
      %dma_wait3A_300 = arith.constant 0 : i32
      %dma_wait3A_301 = tpu.memref_slice %arg3[%add3A_240, %dma_wait3A_300] : memref<100000x128xf32, #tpu.memory_space<hbm>> -> memref<392x128xf32, #tpu.memory_space<hbm>>
      %dma_wait3A_302 = arith.constant 0 : i32
      %dma_wait3A_303 = arith.constant 0 : i32
      %dma_wait3A_304 = tpu.memref_slice %arg5[%dma_wait3A_302, %dma_wait3A_303] : memref<392x128xf32, #tpu.memory_space<vmem>> -> memref<392x128xf32, #tpu.memory_space<vmem>>
      tpu.wait_dma2 semaphore(%arg9 : memref<!tpu.dma_semaphore, #tpu.memory_space<semaphore_mem>>) src(%dma_wait3A_304 : memref<392x128xf32, #tpu.memory_space<vmem>>) dst(%dma_wait3A_301 : memref<392x128xf32, #tpu.memory_space<hbm>>)
      %add3A_305 = arith.constant 2744 : i32
      %add3A_306 = arith.addi %multiple_of3A, %add3A_305 : i32
      %dma_start3A_307 = arith.constant 0 : i32
      %dma_start3A_308 = arith.constant 0 : i32
      %dma_start3A_309 = tpu.memref_slice %arg5[%dma_start3A_307, %dma_start3A_308] : memref<392x128xf32, #tpu.memory_space<vmem>> -> memref<288x128xf32, #tpu.memory_space<vmem>>
      %dma_start3A_310 = arith.constant 0 : i32
      %dma_start3A_311 = tpu.memref_slice %arg2[%add3A_306, %dma_start3A_310] : memref<100000x128xf32, #tpu.memory_space<hbm>> -> memref<288x128xf32, #tpu.memory_space<hbm>>
      %dma_start3A_312 = arith.constant 0 : i32
      %dma_start3A_313 = arith.constant 0 : i32
      %dma_start3A_314 = tpu.memref_slice %arg5[%dma_start3A_312, %dma_start3A_313] : memref<392x128xf32, #tpu.memory_space<vmem>> -> memref<288x128xf32, #tpu.memory_space<vmem>>
      %dma_start3A_315 = arith.constant 0 : i32
      %dma_start3A_316 = tpu.memref_slice %arg2[%add3A_306, %dma_start3A_315] : memref<100000x128xf32, #tpu.memory_space<hbm>> -> memref<288x128xf32, #tpu.memory_space<hbm>>
      tpu.enqueue_dma source(%dma_start3A_316 : memref<288x128xf32, #tpu.memory_space<hbm>>) target(%dma_start3A_314 : memref<288x128xf32, #tpu.memory_space<vmem>>) target_semaphore(%arg7 : memref<!tpu.dma_semaphore, #tpu.memory_space<semaphore_mem>>)
      %dma_wait3A_317 = arith.constant 0 : i32
      %dma_wait3A_318 = arith.constant 0 : i32
      %dma_wait3A_319 = tpu.memref_slice %arg5[%dma_wait3A_317, %dma_wait3A_318] : memref<392x128xf32, #tpu.memory_space<vmem>> -> memref<288x128xf32, #tpu.memory_space<vmem>>
      %dma_wait3A_320 = arith.constant 0 : i32
      %dma_wait3A_321 = tpu.memref_slice %arg2[%add3A_306, %dma_wait3A_320] : memref<100000x128xf32, #tpu.memory_space<hbm>> -> memref<288x128xf32, #tpu.memory_space<hbm>>
      %dma_wait3A_322 = arith.constant 0 : i32
      %dma_wait3A_323 = arith.constant 0 : i32
      %dma_wait3A_324 = tpu.memref_slice %arg5[%dma_wait3A_322, %dma_wait3A_323] : memref<392x128xf32, #tpu.memory_space<vmem>> -> memref<288x128xf32, #tpu.memory_space<vmem>>
      %dma_wait3A_325 = arith.constant 0 : i32
      %dma_wait3A_326 = tpu.memref_slice %arg2[%add3A_306, %dma_wait3A_325] : memref<100000x128xf32, #tpu.memory_space<hbm>> -> memref<288x128xf32, #tpu.memory_space<hbm>>
      tpu.wait_dma2 semaphore(%arg7 : memref<!tpu.dma_semaphore, #tpu.memory_space<semaphore_mem>>) src(%dma_wait3A_326 : memref<288x128xf32, #tpu.memory_space<hbm>>) dst(%dma_wait3A_324 : memref<288x128xf32, #tpu.memory_space<vmem>>)
      %add3A_327 = arith.constant 2744 : i32
      %add3A_328 = arith.addi %multiple_of3A, %add3A_327 : i32
      %dma_start3A_329 = arith.constant 0 : i32
      %dma_start3A_330 = arith.constant 0 : i32
      %dma_start3A_331 = tpu.memref_slice %arg5[%dma_start3A_329, %dma_start3A_330] : memref<392x128xf32, #tpu.memory_space<vmem>> -> memref<288x128xf32, #tpu.memory_space<vmem>>
      %dma_start3A_332 = arith.constant 0 : i32
      %dma_start3A_333 = tpu.memref_slice %arg3[%add3A_328, %dma_start3A_332] : memref<100000x128xf32, #tpu.memory_space<hbm>> -> memref<288x128xf32, #tpu.memory_space<hbm>>
      %dma_start3A_334 = arith.constant 0 : i32
      %dma_start3A_335 = tpu.memref_slice %arg3[%add3A_328, %dma_start3A_334] : memref<100000x128xf32, #tpu.memory_space<hbm>> -> memref<288x128xf32, #tpu.memory_space<hbm>>
      %dma_start3A_336 = arith.constant 0 : i32
      %dma_start3A_337 = arith.constant 0 : i32
      %dma_start3A_338 = tpu.memref_slice %arg5[%dma_start3A_336, %dma_start3A_337] : memref<392x128xf32, #tpu.memory_space<vmem>> -> memref<288x128xf32, #tpu.memory_space<vmem>>
      tpu.enqueue_dma source(%dma_start3A_338 : memref<288x128xf32, #tpu.memory_space<vmem>>) target(%dma_start3A_335 : memref<288x128xf32, #tpu.memory_space<hbm>>) target_semaphore(%arg9 : memref<!tpu.dma_semaphore, #tpu.memory_space<semaphore_mem>>)
      %dma_wait3A_339 = arith.constant 0 : i32
      %dma_wait3A_340 = arith.constant 0 : i32
      %dma_wait3A_341 = tpu.memref_slice %arg4[%dma_wait3A_339, %dma_wait3A_340] : memref<392x128xf32, #tpu.memory_space<vmem>> -> memref<392x128xf32, #tpu.memory_space<vmem>>
      %dma_wait3A_342 = arith.constant 0 : i32
      %dma_wait3A_343 = tpu.memref_slice %arg3[%add3A_284, %dma_wait3A_342] : memref<100000x128xf32, #tpu.memory_space<hbm>> -> memref<392x128xf32, #tpu.memory_space<hbm>>
      %dma_wait3A_344 = arith.constant 0 : i32
      %dma_wait3A_345 = tpu.memref_slice %arg3[%add3A_284, %dma_wait3A_344] : memref<100000x128xf32, #tpu.memory_space<hbm>> -> memref<392x128xf32, #tpu.memory_space<hbm>>
      %dma_wait3A_346 = arith.constant 0 : i32
      %dma_wait3A_347 = arith.constant 0 : i32
      %dma_wait3A_348 = tpu.memref_slice %arg4[%dma_wait3A_346, %dma_wait3A_347] : memref<392x128xf32, #tpu.memory_space<vmem>> -> memref<392x128xf32, #tpu.memory_space<vmem>>
      tpu.wait_dma2 semaphore(%arg8 : memref<!tpu.dma_semaphore, #tpu.memory_space<semaphore_mem>>) src(%dma_wait3A_348 : memref<392x128xf32, #tpu.memory_space<vmem>>) dst(%dma_wait3A_345 : memref<392x128xf32, #tpu.memory_space<hbm>>)
      %dma_wait3A_349 = arith.constant 0 : i32
      %dma_wait3A_350 = arith.constant 0 : i32
      %dma_wait3A_351 = tpu.memref_slice %arg5[%dma_wait3A_349, %dma_wait3A_350] : memref<392x128xf32, #tpu.memory_space<vmem>> -> memref<288x128xf32, #tpu.memory_space<vmem>>
      %dma_wait3A_352 = arith.constant 0 : i32
      %dma_wait3A_353 = tpu.memref_slice %arg3[%add3A_328, %dma_wait3A_352] : memref<100000x128xf32, #tpu.memory_space<hbm>> -> memref<288x128xf32, #tpu.memory_space<hbm>>
      %dma_wait3A_354 = arith.constant 0 : i32
      %dma_wait3A_355 = tpu.memref_slice %arg3[%add3A_328, %dma_wait3A_354] : memref<100000x128xf32, #tpu.memory_space<hbm>> -> memref<288x128xf32, #tpu.memory_space<hbm>>
      %dma_wait3A_356 = arith.constant 0 : i32
      %dma_wait3A_357 = arith.constant 0 : i32
      %dma_wait3A_358 = tpu.memref_slice %arg5[%dma_wait3A_356, %dma_wait3A_357] : memref<392x128xf32, #tpu.memory_space<vmem>> -> memref<288x128xf32, #tpu.memory_space<vmem>>
      tpu.wait_dma2 semaphore(%arg9 : memref<!tpu.dma_semaphore, #tpu.memory_space<semaphore_mem>>) src(%dma_wait3A_358 : memref<288x128xf32, #tpu.memory_space<vmem>>) dst(%dma_wait3A_355 : memref<288x128xf32, #tpu.memory_space<hbm>>)
    } else {
    }
    return
  }
}

#map = affine_map<(d0, d1) -> (0, 0)>
#map1 = affine_map<(d0, d1) -> (0)>
module attributes {stable_mosaic.version = 14 : i64} {
  func.func @gather_k(%arg0: i32, %arg1: i32, %arg2: memref<100000x128xf32, #tpu.memory_space<hbm>>, %arg3: memref<2048xi32, #tpu.memory_space<hbm>>, %arg4: memref<2048x128xf32, #tpu.memory_space<hbm>>, %arg5: memref<64xi32, #tpu.memory_space<vmem>>, %arg6: memref<64x128xf32, #tpu.memory_space<vmem>>, %arg7: memref<!tpu.dma_semaphore, #tpu.memory_space<semaphore_mem>>) attributes {dimension_semantics = [#tpu.dimension_semantics<core_parallel>, #tpu.dimension_semantics<subcore_parallel>], iteration_bounds = array<i64: 2, 16>, scalar_prefetch = 0 : i64, scratch_operands = 3 : i64, tpu.core_type = #tpu.core_type<sc_vector_subcore>, window_params = [{transform_indices = #map}, {transform_indices = #map1}, {transform_indices = #map}]} {
    %mul3A = arith.constant 2 : i32
    %mul3A_0 = arith.muli %arg1, %mul3A : i32
    %add3A = arith.addi %mul3A_0, %arg0 : i32
    %mul3A_1 = arith.constant 64 : i32
    %mul3A_2 = arith.muli %add3A, %mul3A_1 : i32
    "tpu.region"() ({
      %run_scoped3A = tpu.sem_alloc : memref<!tpu.dma_semaphore, #tpu.memory_space<semaphore_mem>>
      %dma_start3A_7 = tpu.memref_slice %arg3[%mul3A_2] : memref<2048xi32, #tpu.memory_space<hbm>> -> memref<64xi32, #tpu.memory_space<hbm>>
      %dma_start3A_8 = tpu.memref_slice %arg3[%mul3A_2] : memref<2048xi32, #tpu.memory_space<hbm>> -> memref<64xi32, #tpu.memory_space<hbm>>
      tpu.enqueue_dma source(%dma_start3A_8 : memref<64xi32, #tpu.memory_space<hbm>>) target(%arg5 : memref<64xi32, #tpu.memory_space<vmem>>) target_semaphore(%run_scoped3A : memref<!tpu.dma_semaphore, #tpu.memory_space<semaphore_mem>>)
      %dma_wait3A_9 = tpu.memref_slice %arg3[%mul3A_2] : memref<2048xi32, #tpu.memory_space<hbm>> -> memref<64xi32, #tpu.memory_space<hbm>>
      %dma_wait3A_10 = tpu.memref_slice %arg3[%mul3A_2] : memref<2048xi32, #tpu.memory_space<hbm>> -> memref<64xi32, #tpu.memory_space<hbm>>
      tpu.wait_dma2 semaphore(%run_scoped3A : memref<!tpu.dma_semaphore, #tpu.memory_space<semaphore_mem>>) src(%dma_wait3A_10 : memref<64xi32, #tpu.memory_space<hbm>>) dst(%arg5 : memref<64xi32, #tpu.memory_space<vmem>>)
      tpu.yield
    }) : () -> ()
    %dma_start3A = arith.constant 0 : i32
    %dma_start3A_3 = arith.constant 0 : i32
    %dma_start3A_4 = tpu.memref_slice %arg2[%dma_start3A, %dma_start3A_3] : memref<100000x128xf32, #tpu.memory_space<hbm>> -> memref<100000x128xf32, #tpu.memory_space<hbm>>
    tpu.enqueue_indirect_dma source(%dma_start3A_4 : memref<100000x128xf32, #tpu.memory_space<hbm>>) target(%arg6 : memref<64x128xf32, #tpu.memory_space<vmem>>) offsets(%arg5 : memref<64xi32, #tpu.memory_space<vmem>>) semaphore(%arg7 : memref<!tpu.dma_semaphore, #tpu.memory_space<semaphore_mem>>)
    %dma_wait3A = arith.constant 0 : i32
    %dma_wait3A_5 = arith.constant 0 : i32
    %dma_wait3A_6 = tpu.memref_slice %arg2[%dma_wait3A, %dma_wait3A_5] : memref<100000x128xf32, #tpu.memory_space<hbm>> -> memref<100000x128xf32, #tpu.memory_space<hbm>>
    tpu.wait_indirect_dma semaphore(%arg7 : memref<!tpu.dma_semaphore, #tpu.memory_space<semaphore_mem>>) src(%dma_wait3A_6 : memref<100000x128xf32, #tpu.memory_space<hbm>>) dst(%arg6 : memref<64x128xf32, #tpu.memory_space<vmem>>)
    "tpu.region"() ({
      %run_scoped3A = tpu.sem_alloc : memref<!tpu.dma_semaphore, #tpu.memory_space<semaphore_mem>>
      %dma_start3A_7 = arith.constant 0 : i32
      %dma_start3A_8 = tpu.memref_slice %arg4[%mul3A_2, %dma_start3A_7] : memref<2048x128xf32, #tpu.memory_space<hbm>> -> memref<64x128xf32, #tpu.memory_space<hbm>>
      %dma_start3A_9 = arith.constant 0 : i32
      %dma_start3A_10 = tpu.memref_slice %arg4[%mul3A_2, %dma_start3A_9] : memref<2048x128xf32, #tpu.memory_space<hbm>> -> memref<64x128xf32, #tpu.memory_space<hbm>>
      tpu.enqueue_dma source(%arg6 : memref<64x128xf32, #tpu.memory_space<vmem>>) target(%dma_start3A_10 : memref<64x128xf32, #tpu.memory_space<hbm>>) target_semaphore(%run_scoped3A : memref<!tpu.dma_semaphore, #tpu.memory_space<semaphore_mem>>)
      %dma_wait3A_11 = arith.constant 0 : i32
      %dma_wait3A_12 = tpu.memref_slice %arg4[%mul3A_2, %dma_wait3A_11] : memref<2048x128xf32, #tpu.memory_space<hbm>> -> memref<64x128xf32, #tpu.memory_space<hbm>>
      %dma_wait3A_13 = arith.constant 0 : i32
      %dma_wait3A_14 = tpu.memref_slice %arg4[%mul3A_2, %dma_wait3A_13] : memref<2048x128xf32, #tpu.memory_space<hbm>> -> memref<64x128xf32, #tpu.memory_space<hbm>>
      tpu.wait_dma2 semaphore(%run_scoped3A : memref<!tpu.dma_semaphore, #tpu.memory_space<semaphore_mem>>) src(%arg6 : memref<64x128xf32, #tpu.memory_space<vmem>>) dst(%dma_wait3A_14 : memref<64x128xf32, #tpu.memory_space<hbm>>)
      tpu.yield
    }) : () -> ()
    return
  }
}

#map = affine_map<(d0, d1) -> (0, 0)>
#map1 = affine_map<(d0, d1) -> (0)>
module attributes {stable_mosaic.version = 14 : i64} {
  func.func @new_body(%arg0: i32, %arg1: i32, %arg2: memref<100000x128xf32, #tpu.memory_space<hbm>>, %arg3: memref<2048xi32, #tpu.memory_space<hbm>>, %arg4: memref<2048x128xf32, #tpu.memory_space<hbm>>, %arg5: memref<100000x128xf32, #tpu.memory_space<hbm>>, %arg6: memref<64xi32, #tpu.memory_space<vmem>>, %arg7: memref<64x128xf32, #tpu.memory_space<vmem>>, %arg8: memref<!tpu.dma_semaphore, #tpu.memory_space<semaphore_mem>>) attributes {dimension_semantics = [#tpu.dimension_semantics<core_parallel>, #tpu.dimension_semantics<subcore_parallel>], iteration_bounds = array<i64: 2, 16>, scalar_prefetch = 0 : i64, scratch_operands = 3 : i64, tpu.core_type = #tpu.core_type<sc_vector_subcore>, window_params = [{transform_indices = #map}, {transform_indices = #map1}, {transform_indices = #map}, {transform_indices = #map}]} {
    %mul3A = arith.constant 2 : i32
    %mul3A_0 = arith.muli %arg1, %mul3A : i32
    %add3A = arith.addi %mul3A_0, %arg0 : i32
    %mul3A_1 = arith.constant 64 : i32
    %mul3A_2 = arith.muli %add3A, %mul3A_1 : i32
    "tpu.region"() ({
      %run_scoped3A = tpu.sem_alloc : memref<!tpu.dma_semaphore, #tpu.memory_space<semaphore_mem>>
      %dma_start3A_8 = tpu.memref_slice %arg3[%mul3A_2] : memref<2048xi32, #tpu.memory_space<hbm>> -> memref<64xi32, #tpu.memory_space<hbm>>
      %dma_start3A_9 = tpu.memref_slice %arg3[%mul3A_2] : memref<2048xi32, #tpu.memory_space<hbm>> -> memref<64xi32, #tpu.memory_space<hbm>>
      tpu.enqueue_dma source(%dma_start3A_9 : memref<64xi32, #tpu.memory_space<hbm>>) target(%arg6 : memref<64xi32, #tpu.memory_space<vmem>>) target_semaphore(%run_scoped3A : memref<!tpu.dma_semaphore, #tpu.memory_space<semaphore_mem>>)
      %dma_wait3A_10 = tpu.memref_slice %arg3[%mul3A_2] : memref<2048xi32, #tpu.memory_space<hbm>> -> memref<64xi32, #tpu.memory_space<hbm>>
      %dma_wait3A_11 = tpu.memref_slice %arg3[%mul3A_2] : memref<2048xi32, #tpu.memory_space<hbm>> -> memref<64xi32, #tpu.memory_space<hbm>>
      tpu.wait_dma2 semaphore(%run_scoped3A : memref<!tpu.dma_semaphore, #tpu.memory_space<semaphore_mem>>) src(%dma_wait3A_11 : memref<64xi32, #tpu.memory_space<hbm>>) dst(%arg6 : memref<64xi32, #tpu.memory_space<vmem>>)
      tpu.yield
    }) : () -> ()
    "tpu.region"() ({
      %run_scoped3A = tpu.sem_alloc : memref<!tpu.dma_semaphore, #tpu.memory_space<semaphore_mem>>
      %dma_start3A_8 = arith.constant 0 : i32
      %dma_start3A_9 = tpu.memref_slice %arg4[%mul3A_2, %dma_start3A_8] : memref<2048x128xf32, #tpu.memory_space<hbm>> -> memref<64x128xf32, #tpu.memory_space<hbm>>
      %dma_start3A_10 = arith.constant 0 : i32
      %dma_start3A_11 = tpu.memref_slice %arg4[%mul3A_2, %dma_start3A_10] : memref<2048x128xf32, #tpu.memory_space<hbm>> -> memref<64x128xf32, #tpu.memory_space<hbm>>
      tpu.enqueue_dma source(%dma_start3A_11 : memref<64x128xf32, #tpu.memory_space<hbm>>) target(%arg7 : memref<64x128xf32, #tpu.memory_space<vmem>>) target_semaphore(%run_scoped3A : memref<!tpu.dma_semaphore, #tpu.memory_space<semaphore_mem>>)
      %dma_wait3A_12 = arith.constant 0 : i32
      %dma_wait3A_13 = tpu.memref_slice %arg4[%mul3A_2, %dma_wait3A_12] : memref<2048x128xf32, #tpu.memory_space<hbm>> -> memref<64x128xf32, #tpu.memory_space<hbm>>
      %dma_wait3A_14 = arith.constant 0 : i32
      %dma_wait3A_15 = tpu.memref_slice %arg4[%mul3A_2, %dma_wait3A_14] : memref<2048x128xf32, #tpu.memory_space<hbm>> -> memref<64x128xf32, #tpu.memory_space<hbm>>
      tpu.wait_dma2 semaphore(%run_scoped3A : memref<!tpu.dma_semaphore, #tpu.memory_space<semaphore_mem>>) src(%dma_wait3A_15 : memref<64x128xf32, #tpu.memory_space<hbm>>) dst(%arg7 : memref<64x128xf32, #tpu.memory_space<vmem>>)
      tpu.yield
    }) : () -> ()
    %dma_start3A = arith.constant 0 : i32
    %dma_start3A_3 = arith.constant 0 : i32
    %dma_start3A_4 = tpu.memref_slice %arg2[%dma_start3A, %dma_start3A_3] : memref<100000x128xf32, #tpu.memory_space<hbm>> -> memref<100000x128xf32, #tpu.memory_space<hbm>>
    %dma_start3A_5 = arith.constant -1 : i32
    tpu.enqueue_indirect_dma source(%arg7 : memref<64x128xf32, #tpu.memory_space<vmem>>) target(%dma_start3A_4 : memref<100000x128xf32, #tpu.memory_space<hbm>>) offsets(%arg6 : memref<64xi32, #tpu.memory_space<vmem>>) offset_filter(%dma_start3A_5) semaphore(%arg8 : memref<!tpu.dma_semaphore, #tpu.memory_space<semaphore_mem>>)
    %dma_wait3A = arith.constant 0 : i32
    %dma_wait3A_6 = arith.constant 0 : i32
    %dma_wait3A_7 = tpu.memref_slice %arg2[%dma_wait3A, %dma_wait3A_6] : memref<100000x128xf32, #tpu.memory_space<hbm>> -> memref<100000x128xf32, #tpu.memory_space<hbm>>
    tpu.wait_indirect_dma semaphore(%arg8 : memref<!tpu.dma_semaphore, #tpu.memory_space<semaphore_mem>>) src(%arg7 : memref<64x128xf32, #tpu.memory_space<vmem>>) dst(%dma_wait3A_7 : memref<100000x128xf32, #tpu.memory_space<hbm>>)
    return
  }
}

module attributes {stable_mosaic.version = 14 : i64} {
  func.func @_tc_chain_body(%arg0: memref<2048x128xf32, #tpu.memory_space<vmem>>, %arg1: memref<1024x128xf32, #tpu.memory_space<vmem>>, %arg2: memref<2048x1xf32, #tpu.memory_space<vmem>>, %arg3: memref<784x128xf32, #tpu.memory_space<vmem>>, %arg4: memref<2048x1xi32, #tpu.memory_space<vmem>>, %arg5: memref<1x2048xi32, #tpu.memory_space<vmem>>, %arg6: memref<128x128xf32, #tpu.memory_space<vmem>>, %arg7: memref<128x128xf32, #tpu.memory_space<vmem>>, %arg8: memref<128x128xf32, #tpu.memory_space<vmem>>, %arg9: memref<1x128xf32, #tpu.memory_space<vmem>>, %arg10: memref<128x128xf32, #tpu.memory_space<vmem>>, %arg11: memref<1x128xf32, #tpu.memory_space<vmem>>, %arg12: memref<128x384xf32, #tpu.memory_space<vmem>>, %arg13: memref<1x384xf32, #tpu.memory_space<vmem>>, %arg14: memref<128x384xf32, #tpu.memory_space<vmem>>, %arg15: memref<1x384xf32, #tpu.memory_space<vmem>>, %arg16: memref<2048x128xf32, #tpu.memory_space<vmem>>, %arg17: memref<1x2048xi32, #tpu.memory_space<vmem>>, %arg18: memref<784x128xf32, #tpu.memory_space<vmem>>) attributes {dimension_semantics = [], scalar_prefetch = 0 : i64, scratch_operands = 0 : i64, tpu.core_type = #tpu.core_type<tc>} {
    %get3A = arith.constant 0 : index
    %get3A_0 = arith.constant 0 : index
    %get3A_1 = vector.load %arg0[%get3A, %get3A_0] : memref<2048x128xf32, #tpu.memory_space<vmem>>, vector<2048x128xf32>
    %slice3A = vector.extract_strided_slice %get3A_1 {offsets = [0, 0], sizes = [1024, 128], strides = [1, 1]} : vector<2048x128xf32> to vector<1024x128xf32>
    %slice3A_2 = vector.extract_strided_slice %get3A_1 {offsets = [1024, 0], sizes = [1024, 128], strides = [1, 1]} : vector<2048x128xf32> to vector<1024x128xf32>
    %get3A_3 = arith.constant 0 : index
    %get3A_4 = arith.constant 0 : index
    %get3A_5 = vector.load %arg6[%get3A_3, %get3A_4] : memref<128x128xf32, #tpu.memory_space<vmem>>, vector<128x128xf32>
    %dot_general3A = arith.constant dense<0.000000e+00> : vector<1024x128xf32>
    %dot_general3A_6 = tpu.matmul %slice3A, %get3A_5, %dot_general3A {dimension_numbers = #tpu.dot_dimension_numbers<[1], [0], [0], [1], [0, 0, 1, 1], [], []>, transpose_lhs_hint = false} : vector<1024x128xf32>, vector<128x128xf32>, vector<1024x128xf32> -> vector<1024x128xf32>
    %get3A_7 = arith.constant 0 : index
    %get3A_8 = arith.constant 0 : index
    %get3A_9 = vector.load %arg7[%get3A_7, %get3A_8] : memref<128x128xf32, #tpu.memory_space<vmem>>, vector<128x128xf32>
    %dot_general3A_10 = arith.constant dense<0.000000e+00> : vector<1024x128xf32>
    %dot_general3A_11 = tpu.matmul %slice3A_2, %get3A_9, %dot_general3A_10 {dimension_numbers = #tpu.dot_dimension_numbers<[1], [0], [0], [1], [0, 0, 1, 1], [], []>, transpose_lhs_hint = false} : vector<1024x128xf32>, vector<128x128xf32>, vector<1024x128xf32> -> vector<1024x128xf32>
    %add3A = arith.addf %dot_general3A_6, %dot_general3A_11 : vector<1024x128xf32>
    %get3A_12 = arith.constant 0 : index
    %get3A_13 = arith.constant 0 : index
    %get3A_14 = vector.load %arg1[%get3A_12, %get3A_13] : memref<1024x128xf32, #tpu.memory_space<vmem>>, vector<1024x128xf32>
    %get3A_15 = arith.constant 0 : index
    %get3A_16 = arith.constant 0 : index
    %get3A_17 = vector.load %arg8[%get3A_15, %get3A_16] : memref<128x128xf32, #tpu.memory_space<vmem>>, vector<128x128xf32>
    %dot_general3A_18 = arith.constant dense<0.000000e+00> : vector<1024x128xf32>
    %dot_general3A_19 = tpu.matmul %get3A_14, %get3A_17, %dot_general3A_18 {dimension_numbers = #tpu.dot_dimension_numbers<[1], [0], [0], [1], [0, 0, 1, 1], [], []>, transpose_lhs_hint = false} : vector<1024x128xf32>, vector<128x128xf32>, vector<1024x128xf32> -> vector<1024x128xf32>
    %add3A_20 = arith.addf %add3A, %dot_general3A_19 : vector<1024x128xf32>
    %get3A_21 = arith.constant 0 : index
    %get3A_22 = arith.constant 0 : index
    %get3A_23 = vector.load %arg9[%get3A_21, %get3A_22] : memref<1x128xf32, #tpu.memory_space<vmem>>, vector<1x128xf32>
    %add3A_24 = vector.broadcast %get3A_23 : vector<1x128xf32> to vector<1024x128xf32>
    %add3A_25 = arith.addf %add3A_20, %add3A_24 : vector<1024x128xf32>
    %max3A = arith.constant 0.000000e+00 : f32
    %max3A_26 = vector.broadcast %max3A : f32 to vector<1024x128xf32>
    %max3A_27 = arith.maximumf %add3A_25, %max3A_26 : vector<1024x128xf32>
    %get3A_28 = arith.constant 0 : index
    %get3A_29 = arith.constant 0 : index
    %get3A_30 = vector.load %arg10[%get3A_28, %get3A_29] : memref<128x128xf32, #tpu.memory_space<vmem>>, vector<128x128xf32>
    %dot_general3A_31 = arith.constant dense<0.000000e+00> : vector<1024x128xf32>
    %dot_general3A_32 = tpu.matmul %max3A_27, %get3A_30, %dot_general3A_31 {dimension_numbers = #tpu.dot_dimension_numbers<[1], [0], [0], [1], [0, 0, 1, 1], [], []>, transpose_lhs_hint = false} : vector<1024x128xf32>, vector<128x128xf32>, vector<1024x128xf32> -> vector<1024x128xf32>
    %get3A_33 = arith.constant 0 : index
    %get3A_34 = arith.constant 0 : index
    %get3A_35 = vector.load %arg11[%get3A_33, %get3A_34] : memref<1x128xf32, #tpu.memory_space<vmem>>, vector<1x128xf32>
    %add3A_36 = vector.broadcast %get3A_35 : vector<1x128xf32> to vector<1024x128xf32>
    %add3A_37 = arith.addf %dot_general3A_32, %add3A_36 : vector<1024x128xf32>
    %get3A_38 = arith.constant 0 : index
    %get3A_39 = arith.constant 0 : index
    %get3A_40 = vector.load %arg12[%get3A_38, %get3A_39] : memref<128x384xf32, #tpu.memory_space<vmem>>, vector<128x384xf32>
    %dot_general3A_41 = arith.constant dense<0.000000e+00> : vector<1024x384xf32>
    %dot_general3A_42 = tpu.matmul %add3A_37, %get3A_40, %dot_general3A_41 {dimension_numbers = #tpu.dot_dimension_numbers<[1], [0], [0], [1], [0, 0, 1, 1], [], []>, transpose_lhs_hint = false} : vector<1024x128xf32>, vector<128x384xf32>, vector<1024x384xf32> -> vector<1024x384xf32>
    %get3A_43 = arith.constant 0 : index
    %get3A_44 = arith.constant 0 : index
    %get3A_45 = vector.load %arg13[%get3A_43, %get3A_44] : memref<1x384xf32, #tpu.memory_space<vmem>>, vector<1x384xf32>
    %add3A_46 = vector.broadcast %get3A_45 : vector<1x384xf32> to vector<1024x384xf32>
    %add3A_47 = arith.addf %dot_general3A_42, %add3A_46 : vector<1024x384xf32>
    %concatenate3A = tpu.concatenate %add3A_47, %add3A_47 in 0 : vector<1024x384xf32>, vector<1024x384xf32> -> vector<2048x384xf32>
    %slice3A_48 = vector.extract_strided_slice %concatenate3A {offsets = [0, 0], sizes = [2048, 128], strides = [1, 1]} : vector<2048x384xf32> to vector<2048x128xf32>
    %slice3A_49 = vector.extract_strided_slice %concatenate3A {offsets = [0, 128], sizes = [2048, 128], strides = [1, 1]} : vector<2048x384xf32> to vector<2048x128xf32>
    %slice3A_50 = vector.extract_strided_slice %concatenate3A {offsets = [0, 256], sizes = [2048, 128], strides = [1, 1]} : vector<2048x384xf32> to vector<2048x128xf32>
    %get3A_51 = arith.constant 0 : index
    %get3A_52 = arith.constant 0 : index
    %get3A_53 = vector.load %arg4[%get3A_51, %get3A_52] : memref<2048x1xi32, #tpu.memory_space<vmem>>, vector<2048x1xi32>
    %get3A_54 = arith.constant 0 : index
    %get3A_55 = arith.constant 0 : index
    %get3A_56 = vector.load %arg5[%get3A_54, %get3A_55] : memref<1x2048xi32, #tpu.memory_space<vmem>>, vector<1x2048xi32>
    %shift_right_logical3A = arith.constant 11 : i32
    %shift_right_logical3A_57 = vector.broadcast %shift_right_logical3A : i32 to vector<2048x1xi32>
    %shift_right_logical3A_58 = arith.shrui %get3A_53, %shift_right_logical3A_57 : vector<2048x1xi32>
    %shift_right_logical3A_59 = arith.constant 11 : i32
    %shift_right_logical3A_60 = vector.broadcast %shift_right_logical3A_59 : i32 to vector<1x2048xi32>
    %shift_right_logical3A_61 = arith.shrui %get3A_56, %shift_right_logical3A_60 : vector<1x2048xi32>
    %gt3A = vector.broadcast %get3A_53 : vector<2048x1xi32> to vector<2048x2048xi32>
    %gt3A_62 = vector.broadcast %get3A_56 : vector<1x2048xi32> to vector<2048x2048xi32>
    %gt3A_63 = arith.cmpi sgt, %gt3A, %gt3A_62 : vector<2048x2048xi32>
    %jit3A = arith.constant 1073741824 : i32
    %broadcast_in_dim3A = vector.shape_cast %get3A_53 : vector<2048x1xi32> to vector<2048x1xi32>
    %broadcast_in_dim3A_64 = vector.broadcast %broadcast_in_dim3A : vector<2048x1xi32> to vector<2048x2048xi32>
    %broadcast_in_dim3A_65 = vector.broadcast %jit3A : i32 to vector<2048x2048xi32>
    %select_n3A = arith.select %gt3A_63, %broadcast_in_dim3A_64, %broadcast_in_dim3A_65 : vector<2048x2048xi1>, vector<2048x2048xi32>
    %reduce_min3A = arith.constant dense<2147483647> : vector<2048xi32>
    %reduce_min3A_66 = vector.multi_reduction <minsi>, %select_n3A, %reduce_min3A [0] : vector<2048x2048xi32> to vector<2048xi32>
    %broadcast_in_dim3A_67 = vector.shape_cast %reduce_min3A_66 : vector<2048xi32> to vector<1x2048xi32>
    %shift_right_logical3A_68 = arith.constant 11 : i32
    %shift_right_logical3A_69 = vector.broadcast %shift_right_logical3A_68 : i32 to vector<1x2048xi32>
    %shift_right_logical3A_70 = arith.shrui %broadcast_in_dim3A_67, %shift_right_logical3A_69 : vector<1x2048xi32>
    %eq3A = arith.cmpi eq, %shift_right_logical3A_70, %shift_right_logical3A_61 : vector<1x2048xi32>
    %not3A = arith.constant dense<true> : vector<1x2048xi1>
    %not3A_71 = arith.xori %eq3A, %not3A : vector<1x2048xi1>
    %jit3A_72 = arith.constant -1 : i32
    %broadcast_in_dim3A_73 = vector.broadcast %jit3A_72 : i32 to vector<1x2048xi32>
    %select_n3A_74 = arith.select %eq3A, %broadcast_in_dim3A_67, %broadcast_in_dim3A_73 : vector<1x2048xi1>, vector<1x2048xi32>
    %eq3A_75 = vector.broadcast %get3A_53 : vector<2048x1xi32> to vector<2048x2048xi32>
    %eq3A_76 = vector.broadcast %select_n3A_74 : vector<1x2048xi32> to vector<2048x2048xi32>
    %eq3A_77 = arith.cmpi eq, %eq3A_75, %eq3A_76 : vector<2048x2048xi32>
    %convert_element_type3A = arith.extui %eq3A_77 : vector<2048x2048xi1> to vector<2048x2048xi32>
    %convert_element_type3A_78 = arith.sitofp %convert_element_type3A : vector<2048x2048xi32> to vector<2048x2048xf32>
    %convert_element_type3A_79 = arith.truncf %convert_element_type3A_78 : vector<2048x2048xf32> to vector<2048x2048xbf16>
    %broadcast_in_dim3A_80 = arith.constant 1.000000e+00 : bf16
    %broadcast_in_dim3A_81 = vector.broadcast %broadcast_in_dim3A_80 : bf16 to vector<2048x1xbf16>
    %dot_general3A_82 = arith.constant dense<0.000000e+00> : vector<2048x1xf32>
    %dot_general3A_83 = tpu.matmul %convert_element_type3A_79, %broadcast_in_dim3A_81, %dot_general3A_82 {dimension_numbers = #tpu.dot_dimension_numbers<[1], [0], [0], [1], [0, 0, 1, 1], [], []>, transpose_lhs_hint = false} : vector<2048x2048xbf16>, vector<2048x1xbf16>, vector<2048x1xf32> -> vector<2048x1xf32>
    %eq3A_84 = vector.broadcast %shift_right_logical3A_58 : vector<2048x1xi32> to vector<2048x2048xi32>
    %eq3A_85 = vector.broadcast %shift_right_logical3A_61 : vector<1x2048xi32> to vector<2048x2048xi32>
    %eq3A_86 = arith.cmpi eq, %eq3A_84, %eq3A_85 : vector<2048x2048xi32>
    %convert_element_type3A_87 = arith.extui %eq3A_86 : vector<2048x2048xi1> to vector<2048x2048xi32>
    %reduce_sum3A = arith.constant dense<0> : vector<2048xi32>
    %reduce_sum3A_88 = vector.multi_reduction <add>, %convert_element_type3A_87, %reduce_sum3A [0] : vector<2048x2048xi32> to vector<2048xi32>
    %reduce_max3A = vector.shape_cast %reduce_sum3A_88 : vector<2048xi32> to vector<1x2048xi32>
    %reduce_max3A_89 = arith.constant dense<-2147483648> : vector<1xi32>
    %reduce_max3A_90 = vector.multi_reduction <maxsi>, %reduce_max3A, %reduce_max3A_89 [1] : vector<1x2048xi32> to vector<1xi32>
    %reduce_max3A_91 = vector.shape_cast %reduce_max3A_90 : vector<1xi32> to vector<1x1xi32>
    %reduce_max3A_92 = vector.extract %reduce_max3A_91[0, 0] : i32 from vector<1x1xi32>
    %get3A_93 = arith.constant 0 : index
    %get3A_94 = arith.constant 0 : index
    %get3A_95 = vector.load %arg14[%get3A_93, %get3A_94] : memref<128x384xf32, #tpu.memory_space<vmem>>, vector<128x384xf32>
    %convert_element_type3A_96 = arith.truncf %get3A_95 : vector<128x384xf32> to vector<128x384xbf16>
    %get3A_97 = arith.constant 0 : index
    %get3A_98 = arith.constant 0 : index
    %get3A_99 = vector.load %arg15[%get3A_97, %get3A_98] : memref<1x384xf32, #tpu.memory_space<vmem>>, vector<1x384xf32>
    %sub3A = arith.constant 1 : i32
    %sub3A_100 = arith.subi %reduce_max3A_92, %sub3A : i32
    %while3A = arith.constant 0 : i32
    %while3A_101 = arith.subi %sub3A_100, %while3A : i32
    %while3A_102 = arith.addi %while3A, %while3A_101 : i32
    %while3A_103 = arith.constant 1 : i32
    %while3A_104 = arith.divsi %while3A_101, %while3A_103 : i32
    %while3A_105 = arith.muli %while3A_104, %while3A_103 : i32
    %while3A_106 = arith.addi %while3A, %while3A_105 : i32
    %while3A_107 = arith.constant 1 : i32
    %while3A_108 = scf.for %while3A_235 = %while3A to %while3A_106 step %while3A_107 iter_args(%while3A_236 = %get3A_1) -> (vector<2048x128xf32>)  : i32 {
      %convert_element_type3A_237 = arith.truncf %while3A_236 : vector<2048x128xf32> to vector<2048x128xbf16>
      %dot_general3A_238 = arith.constant dense<0.000000e+00> : vector<2048x384xf32>
      %dot_general3A_239 = tpu.matmul %convert_element_type3A_237, %convert_element_type3A_96, %dot_general3A_238 {dimension_numbers = #tpu.dot_dimension_numbers<[1], [0], [0], [1], [0, 0, 1, 1], [], []>, transpose_lhs_hint = false} : vector<2048x128xbf16>, vector<128x384xbf16>, vector<2048x384xf32> -> vector<2048x384xf32>
      %add3A_240 = vector.broadcast %get3A_99 : vector<1x384xf32> to vector<2048x384xf32>
      %add3A_241 = arith.addf %dot_general3A_239, %add3A_240 : vector<2048x384xf32>
      %slice3A_242 = vector.extract_strided_slice %add3A_241 {offsets = [0, 0], sizes = [2048, 128], strides = [1, 1]} : vector<2048x384xf32> to vector<2048x128xf32>
      %slice3A_243 = vector.extract_strided_slice %add3A_241 {offsets = [0, 128], sizes = [2048, 128], strides = [1, 1]} : vector<2048x384xf32> to vector<2048x128xf32>
      %slice3A_244 = vector.extract_strided_slice %add3A_241 {offsets = [0, 256], sizes = [2048, 128], strides = [1, 1]} : vector<2048x384xf32> to vector<2048x128xf32>
      %add3A_245 = arith.addf %slice3A_48, %slice3A_242 : vector<2048x128xf32>
      %logistic3A_246 = arith.negf %add3A_245 : vector<2048x128xf32>
      %logistic3A_247 = math.exp %logistic3A_246 : vector<2048x128xf32>
      %logistic3A_248 = arith.constant 1.000000e+00 : f32
      %logistic3A_249 = vector.broadcast %logistic3A_248 : f32 to vector<2048x128xf32>
      %logistic3A_250 = arith.addf %logistic3A_249, %logistic3A_247 : vector<2048x128xf32>
      %logistic3A_251 = arith.divf %logistic3A_249, %logistic3A_250 : vector<2048x128xf32>
      %add3A_252 = arith.addf %slice3A_49, %slice3A_243 : vector<2048x128xf32>
      %logistic3A_253 = arith.negf %add3A_252 : vector<2048x128xf32>
      %logistic3A_254 = math.exp %logistic3A_253 : vector<2048x128xf32>
      %logistic3A_255 = arith.constant 1.000000e+00 : f32
      %logistic3A_256 = vector.broadcast %logistic3A_255 : f32 to vector<2048x128xf32>
      %logistic3A_257 = arith.addf %logistic3A_256, %logistic3A_254 : vector<2048x128xf32>
      %logistic3A_258 = arith.divf %logistic3A_256, %logistic3A_257 : vector<2048x128xf32>
      %mul3A_259 = arith.mulf %logistic3A_251, %slice3A_244 : vector<2048x128xf32>
      %add3A_260 = arith.addf %slice3A_50, %mul3A_259 : vector<2048x128xf32>
      %tanh3A_261 = math.tanh %add3A_260 : vector<2048x128xf32>
      %sub3A_262 = arith.constant 1.000000e+00 : f32
      %sub3A_263 = vector.broadcast %sub3A_262 : f32 to vector<2048x128xf32>
      %sub3A_264 = arith.subf %sub3A_263, %logistic3A_258 : vector<2048x128xf32>
      %mul3A_265 = arith.mulf %sub3A_264, %tanh3A_261 : vector<2048x128xf32>
      %mul3A_266 = arith.mulf %logistic3A_258, %while3A_236 : vector<2048x128xf32>
      %add3A_267 = arith.addf %mul3A_265, %mul3A_266 : vector<2048x128xf32>
      %convert_element_type3A_268 = arith.truncf %add3A_267 : vector<2048x128xf32> to vector<2048x128xbf16>
      %dot_general3A_269 = arith.constant dense<0.000000e+00> : vector<2048x128xf32>
      %dot_general3A_270 = tpu.matmul %convert_element_type3A_79, %convert_element_type3A_268, %dot_general3A_269 {dimension_numbers = #tpu.dot_dimension_numbers<[1], [0], [0], [1], [0, 0, 1, 1], [], []>, transpose_lhs_hint = false} : vector<2048x2048xbf16>, vector<2048x128xbf16>, vector<2048x128xf32> -> vector<2048x128xf32>
      %sub3A_271 = arith.constant 1.000000e+00 : f32
      %sub3A_272 = vector.broadcast %sub3A_271 : f32 to vector<2048x1xf32>
      %sub3A_273 = arith.subf %sub3A_272, %dot_general3A_83 : vector<2048x1xf32>
      %mul3A_274 = vector.broadcast %sub3A_273 : vector<2048x1xf32> to vector<2048x128xf32>
      %mul3A_275 = arith.mulf %mul3A_274, %while3A_236 : vector<2048x128xf32>
      %add3A_276 = arith.addf %dot_general3A_270, %mul3A_275 : vector<2048x128xf32>
      scf.yield %add3A_276 : vector<2048x128xf32>
    }
    %while3A_109 = arith.constant 1 : i32
    %while3A_110 = scf.for %while3A_235 = %while3A_106 to %while3A_102 step %while3A_109 iter_args(%while3A_236 = %while3A_108) -> (vector<2048x128xf32>)  : i32 {
      %convert_element_type3A_237 = arith.truncf %while3A_236 : vector<2048x128xf32> to vector<2048x128xbf16>
      %dot_general3A_238 = arith.constant dense<0.000000e+00> : vector<2048x384xf32>
      %dot_general3A_239 = tpu.matmul %convert_element_type3A_237, %convert_element_type3A_96, %dot_general3A_238 {dimension_numbers = #tpu.dot_dimension_numbers<[1], [0], [0], [1], [0, 0, 1, 1], [], []>, transpose_lhs_hint = false} : vector<2048x128xbf16>, vector<128x384xbf16>, vector<2048x384xf32> -> vector<2048x384xf32>
      %add3A_240 = vector.broadcast %get3A_99 : vector<1x384xf32> to vector<2048x384xf32>
      %add3A_241 = arith.addf %dot_general3A_239, %add3A_240 : vector<2048x384xf32>
      %slice3A_242 = vector.extract_strided_slice %add3A_241 {offsets = [0, 0], sizes = [2048, 128], strides = [1, 1]} : vector<2048x384xf32> to vector<2048x128xf32>
      %slice3A_243 = vector.extract_strided_slice %add3A_241 {offsets = [0, 128], sizes = [2048, 128], strides = [1, 1]} : vector<2048x384xf32> to vector<2048x128xf32>
      %slice3A_244 = vector.extract_strided_slice %add3A_241 {offsets = [0, 256], sizes = [2048, 128], strides = [1, 1]} : vector<2048x384xf32> to vector<2048x128xf32>
      %add3A_245 = arith.addf %slice3A_48, %slice3A_242 : vector<2048x128xf32>
      %logistic3A_246 = arith.negf %add3A_245 : vector<2048x128xf32>
      %logistic3A_247 = math.exp %logistic3A_246 : vector<2048x128xf32>
      %logistic3A_248 = arith.constant 1.000000e+00 : f32
      %logistic3A_249 = vector.broadcast %logistic3A_248 : f32 to vector<2048x128xf32>
      %logistic3A_250 = arith.addf %logistic3A_249, %logistic3A_247 : vector<2048x128xf32>
      %logistic3A_251 = arith.divf %logistic3A_249, %logistic3A_250 : vector<2048x128xf32>
      %add3A_252 = arith.addf %slice3A_49, %slice3A_243 : vector<2048x128xf32>
      %logistic3A_253 = arith.negf %add3A_252 : vector<2048x128xf32>
      %logistic3A_254 = math.exp %logistic3A_253 : vector<2048x128xf32>
      %logistic3A_255 = arith.constant 1.000000e+00 : f32
      %logistic3A_256 = vector.broadcast %logistic3A_255 : f32 to vector<2048x128xf32>
      %logistic3A_257 = arith.addf %logistic3A_256, %logistic3A_254 : vector<2048x128xf32>
      %logistic3A_258 = arith.divf %logistic3A_256, %logistic3A_257 : vector<2048x128xf32>
      %mul3A_259 = arith.mulf %logistic3A_251, %slice3A_244 : vector<2048x128xf32>
      %add3A_260 = arith.addf %slice3A_50, %mul3A_259 : vector<2048x128xf32>
      %tanh3A_261 = math.tanh %add3A_260 : vector<2048x128xf32>
      %sub3A_262 = arith.constant 1.000000e+00 : f32
      %sub3A_263 = vector.broadcast %sub3A_262 : f32 to vector<2048x128xf32>
      %sub3A_264 = arith.subf %sub3A_263, %logistic3A_258 : vector<2048x128xf32>
      %mul3A_265 = arith.mulf %sub3A_264, %tanh3A_261 : vector<2048x128xf32>
      %mul3A_266 = arith.mulf %logistic3A_258, %while3A_236 : vector<2048x128xf32>
      %add3A_267 = arith.addf %mul3A_265, %mul3A_266 : vector<2048x128xf32>
      %convert_element_type3A_268 = arith.truncf %add3A_267 : vector<2048x128xf32> to vector<2048x128xbf16>
      %dot_general3A_269 = arith.constant dense<0.000000e+00> : vector<2048x128xf32>
      %dot_general3A_270 = tpu.matmul %convert_element_type3A_79, %convert_element_type3A_268, %dot_general3A_269 {dimension_numbers = #tpu.dot_dimension_numbers<[1], [0], [0], [1], [0, 0, 1, 1], [], []>, transpose_lhs_hint = false} : vector<2048x2048xbf16>, vector<2048x128xbf16>, vector<2048x128xf32> -> vector<2048x128xf32>
      %sub3A_271 = arith.constant 1.000000e+00 : f32
      %sub3A_272 = vector.broadcast %sub3A_271 : f32 to vector<2048x1xf32>
      %sub3A_273 = arith.subf %sub3A_272, %dot_general3A_83 : vector<2048x1xf32>
      %mul3A_274 = vector.broadcast %sub3A_273 : vector<2048x1xf32> to vector<2048x128xf32>
      %mul3A_275 = arith.mulf %mul3A_274, %while3A_236 : vector<2048x128xf32>
      %add3A_276 = arith.addf %dot_general3A_270, %mul3A_275 : vector<2048x128xf32>
      scf.yield %add3A_276 : vector<2048x128xf32>
    }
    %convert_element_type3A_111 = arith.truncf %while3A_110 : vector<2048x128xf32> to vector<2048x128xbf16>
    %dot_general3A_112 = arith.constant dense<0.000000e+00> : vector<2048x384xf32>
    %dot_general3A_113 = tpu.matmul %convert_element_type3A_111, %convert_element_type3A_96, %dot_general3A_112 {dimension_numbers = #tpu.dot_dimension_numbers<[1], [0], [0], [1], [0, 0, 1, 1], [], []>, transpose_lhs_hint = false} : vector<2048x128xbf16>, vector<128x384xbf16>, vector<2048x384xf32> -> vector<2048x384xf32>
    %add3A_114 = vector.broadcast %get3A_99 : vector<1x384xf32> to vector<2048x384xf32>
    %add3A_115 = arith.addf %dot_general3A_113, %add3A_114 : vector<2048x384xf32>
    %slice3A_116 = vector.extract_strided_slice %add3A_115 {offsets = [0, 0], sizes = [2048, 128], strides = [1, 1]} : vector<2048x384xf32> to vector<2048x128xf32>
    %slice3A_117 = vector.extract_strided_slice %add3A_115 {offsets = [0, 128], sizes = [2048, 128], strides = [1, 1]} : vector<2048x384xf32> to vector<2048x128xf32>
    %slice3A_118 = vector.extract_strided_slice %add3A_115 {offsets = [0, 256], sizes = [2048, 128], strides = [1, 1]} : vector<2048x384xf32> to vector<2048x128xf32>
    %add3A_119 = arith.addf %slice3A_48, %slice3A_116 : vector<2048x128xf32>
    %logistic3A = arith.negf %add3A_119 : vector<2048x128xf32>
    %logistic3A_120 = math.exp %logistic3A : vector<2048x128xf32>
    %logistic3A_121 = arith.constant 1.000000e+00 : f32
    %logistic3A_122 = vector.broadcast %logistic3A_121 : f32 to vector<2048x128xf32>
    %logistic3A_123 = arith.addf %logistic3A_122, %logistic3A_120 : vector<2048x128xf32>
    %logistic3A_124 = arith.divf %logistic3A_122, %logistic3A_123 : vector<2048x128xf32>
    %add3A_125 = arith.addf %slice3A_49, %slice3A_117 : vector<2048x128xf32>
    %logistic3A_126 = arith.negf %add3A_125 : vector<2048x128xf32>
    %logistic3A_127 = math.exp %logistic3A_126 : vector<2048x128xf32>
    %logistic3A_128 = arith.constant 1.000000e+00 : f32
    %logistic3A_129 = vector.broadcast %logistic3A_128 : f32 to vector<2048x128xf32>
    %logistic3A_130 = arith.addf %logistic3A_129, %logistic3A_127 : vector<2048x128xf32>
    %logistic3A_131 = arith.divf %logistic3A_129, %logistic3A_130 : vector<2048x128xf32>
    %mul3A = arith.mulf %logistic3A_124, %slice3A_118 : vector<2048x128xf32>
    %add3A_132 = arith.addf %slice3A_50, %mul3A : vector<2048x128xf32>
    %tanh3A = math.tanh %add3A_132 : vector<2048x128xf32>
    %sub3A_133 = arith.constant 1.000000e+00 : f32
    %sub3A_134 = vector.broadcast %sub3A_133 : f32 to vector<2048x128xf32>
    %sub3A_135 = arith.subf %sub3A_134, %logistic3A_131 : vector<2048x128xf32>
    %mul3A_136 = arith.mulf %sub3A_135, %tanh3A : vector<2048x128xf32>
    %mul3A_137 = arith.mulf %logistic3A_131, %while3A_110 : vector<2048x128xf32>
    %add3A_138 = arith.addf %mul3A_136, %mul3A_137 : vector<2048x128xf32>
    %swap3A = arith.constant 0 : index
    %swap3A_139 = arith.constant 0 : index
    %swap3A_140 = vector.load %arg16[%swap3A, %swap3A_139] : memref<2048x128xf32, #tpu.memory_space<vmem>>, vector<2048x128xf32>
    tpu.vector_store %arg16[%swap3A, %swap3A_139], %add3A_138 {strides = array<i32>} : memref<2048x128xf32, #tpu.memory_space<vmem>>, vector<2048x128xf32>,
    %jit3A_141 = arith.constant -1 : i32
    %broadcast_in_dim3A_142 = vector.broadcast %jit3A_141 : i32 to vector<1x2048xi32>
    %select_n3A_143 = arith.select %not3A_71, %shift_right_logical3A_61, %broadcast_in_dim3A_142 : vector<1x2048xi1>, vector<1x2048xi32>
    %swap3A_144 = arith.constant 0 : index
    %swap3A_145 = arith.constant 0 : index
    %swap3A_146 = vector.load %arg17[%swap3A_144, %swap3A_145] : memref<1x2048xi32, #tpu.memory_space<vmem>>, vector<1x2048xi32>
    tpu.vector_store %arg17[%swap3A_144, %swap3A_145], %select_n3A_143 {strides = array<i32>} : memref<1x2048xi32, #tpu.memory_space<vmem>>, vector<1x2048xi32>,
    %iota3A = tpu.iota {dimensions = array<i32: 1>} : vector<1x128xi32>
    %jit3A_147 = arith.constant 128 : i32
    %eq3A_148 = arith.constant 0 : i32
    %eq3A_149 = arith.cmpi eq, %jit3A_147, %eq3A_148 : i32
    %jit3A_150 = arith.constant 1 : i32
    %select_n3A_151 = arith.select %eq3A_149, %jit3A_150, %jit3A_147 : i32
    %rem3A = vector.broadcast %select_n3A_151 : i32 to vector<2048x1xi32>
    %rem3A_152 = arith.remsi %shift_right_logical3A_58, %rem3A : vector<2048x1xi32>
    %ne3A = arith.constant 0 : i32
    %ne3A_153 = vector.broadcast %ne3A : i32 to vector<2048x1xi32>
    %ne3A_154 = arith.cmpi ne, %rem3A_152, %ne3A_153 : vector<2048x1xi32>
    %lt3A = arith.constant 0 : i32
    %lt3A_155 = vector.broadcast %lt3A : i32 to vector<2048x1xi32>
    %lt3A_156 = arith.cmpi slt, %rem3A_152, %lt3A_155 : vector<2048x1xi32>
    %lt3A_157 = arith.constant 0 : i32
    %lt3A_158 = arith.cmpi slt, %select_n3A_151, %lt3A_157 : i32
    %ne3A_159 = vector.broadcast %lt3A_158 : i1 to vector<2048x1xi1>
    %ne3A_160 = vector.broadcast %ne3A_159 : vector<2048x1xi1> to vector<2048x1xi1>
    %ne3A_161 = arith.xori %lt3A_156, %ne3A_160 : vector<2048x1xi1>
    %and3A = arith.andi %ne3A_161, %ne3A_154 : vector<2048x1xi1>
    %add3A_162 = vector.broadcast %select_n3A_151 : i32 to vector<2048x1xi32>
    %add3A_163 = arith.addi %rem3A_152, %add3A_162 : vector<2048x1xi32>
    %select_n3A_164 = arith.select %and3A, %add3A_163, %rem3A_152 : vector<2048x1xi1>, vector<2048x1xi32>
    %eq3A_165 = vector.broadcast %iota3A : vector<1x128xi32> to vector<2048x128xi32>
    %eq3A_166 = vector.broadcast %select_n3A_164 : vector<2048x1xi32> to vector<2048x128xi32>
    %eq3A_167 = arith.cmpi eq, %eq3A_165, %eq3A_166 : vector<2048x128xi32>
    %convert_element_type3A_168 = arith.extui %eq3A_167 : vector<2048x128xi1> to vector<2048x128xi32>
    %convert_element_type3A_169 = arith.sitofp %convert_element_type3A_168 : vector<2048x128xi32> to vector<2048x128xf32>
    %iota3A_170 = tpu.iota {dimensions = array<i32: 0>} : vector<784x1xi32>
    %jit3A_171 = arith.constant 128 : i32
    %div3A = vector.broadcast %jit3A_171 : i32 to vector<1x2048xi32>
    %div3A_172 = arith.divsi %shift_right_logical3A_61, %div3A : vector<1x2048xi32>
    %sign3A = arith.constant 0 : i32
    %sign3A_173 = vector.broadcast %sign3A : i32 to vector<1x2048xi32>
    %sign3A_174 = arith.cmpi sgt, %shift_right_logical3A_61, %sign3A_173 : vector<1x2048xi32>
    %sign3A_175 = arith.extui %sign3A_174 : vector<1x2048xi1> to vector<1x2048xi32>
    %sign3A_176 = arith.constant 0 : i32
    %sign3A_177 = vector.broadcast %sign3A_176 : i32 to vector<1x2048xi32>
    %sign3A_178 = arith.cmpi slt, %shift_right_logical3A_61, %sign3A_177 : vector<1x2048xi32>
    %sign3A_179 = arith.extui %sign3A_178 : vector<1x2048xi1> to vector<1x2048xi32>
    %sign3A_180 = arith.subi %sign3A_175, %sign3A_179 : vector<1x2048xi32>
    %sign3A_181 = arith.constant 0 : i32
    %sign3A_182 = arith.cmpi sgt, %jit3A_171, %sign3A_181 : i32
    %sign3A_183 = arith.extui %sign3A_182 : i1 to i32
    %sign3A_184 = arith.constant 0 : i32
    %sign3A_185 = arith.cmpi slt, %jit3A_171, %sign3A_184 : i32
    %sign3A_186 = arith.extui %sign3A_185 : i1 to i32
    %sign3A_187 = arith.subi %sign3A_183, %sign3A_186 : i32
    %ne3A_188 = vector.broadcast %sign3A_187 : i32 to vector<1x2048xi32>
    %ne3A_189 = arith.cmpi ne, %sign3A_180, %ne3A_188 : vector<1x2048xi32>
    %rem3A_190 = vector.broadcast %jit3A_171 : i32 to vector<1x2048xi32>
    %rem3A_191 = arith.remsi %shift_right_logical3A_61, %rem3A_190 : vector<1x2048xi32>
    %ne3A_192 = arith.constant 0 : i32
    %ne3A_193 = vector.broadcast %ne3A_192 : i32 to vector<1x2048xi32>
    %ne3A_194 = arith.cmpi ne, %rem3A_191, %ne3A_193 : vector<1x2048xi32>
    %and3A_195 = arith.andi %ne3A_189, %ne3A_194 : vector<1x2048xi1>
    %sub3A_196 = arith.constant 1 : i32
    %sub3A_197 = vector.broadcast %sub3A_196 : i32 to vector<1x2048xi32>
    %sub3A_198 = arith.subi %div3A_172, %sub3A_197 : vector<1x2048xi32>
    %select_n3A_199 = arith.select %and3A_195, %sub3A_198, %div3A_172 : vector<1x2048xi1>, vector<1x2048xi32>
    %eq3A_200 = vector.broadcast %iota3A_170 : vector<784x1xi32> to vector<784x2048xi32>
    %eq3A_201 = vector.broadcast %select_n3A_199 : vector<1x2048xi32> to vector<784x2048xi32>
    %eq3A_202 = arith.cmpi eq, %eq3A_200, %eq3A_201 : vector<784x2048xi32>
    %and3A_203 = vector.broadcast %not3A_71 : vector<1x2048xi1> to vector<784x2048xi1>
    %and3A_204 = arith.andi %eq3A_202, %and3A_203 : vector<784x2048xi1>
    %jit3A_205 = arith.constant 1.000000e+00 : f32
    %jit3A_206 = arith.constant 0.000000e+00 : f32
    %broadcast_in_dim3A_207 = vector.broadcast %jit3A_205 : f32 to vector<784x2048xf32>
    %broadcast_in_dim3A_208 = vector.broadcast %jit3A_206 : f32 to vector<784x2048xf32>
    %select_n3A_209 = arith.select %and3A_204, %broadcast_in_dim3A_207, %broadcast_in_dim3A_208 : vector<784x2048xi1>, vector<784x2048xf32>
    %get3A_210 = arith.constant 0 : index
    %get3A_211 = arith.constant 0 : index
    %get3A_212 = vector.load %arg2[%get3A_210, %get3A_211] : memref<2048x1xf32, #tpu.memory_space<vmem>>, vector<2048x1xf32>
    %add3A_213 = arith.constant 2.048000e+03 : f32
    %add3A_214 = vector.broadcast %add3A_213 : f32 to vector<2048x1xf32>
    %add3A_215 = arith.addf %get3A_212, %add3A_214 : vector<2048x1xf32>
    %mul3A_216 = vector.broadcast %add3A_215 : vector<2048x1xf32> to vector<2048x128xf32>
    %mul3A_217 = arith.mulf %convert_element_type3A_169, %mul3A_216 : vector<2048x128xf32>
    %dot_general3A_218 = arith.constant dense<0.000000e+00> : vector<784x128xf32>
    %dot_general3A_219 = tpu.matmul %select_n3A_209, %mul3A_217, %dot_general3A_218 {dimension_numbers = #tpu.dot_dimension_numbers<[1], [0], [0], [1], [0, 0, 1, 1], [], []>, precision = #tpu.contract_precision<fp32>, transpose_lhs_hint = false} : vector<784x2048xf32>, vector<2048x128xf32>, vector<784x128xf32> -> vector<784x128xf32>
    %sub3A_220 = arith.constant 2.048000e+03 : f32
    %sub3A_221 = arith.constant 1.000000e+00 : f32
    %sub3A_222 = arith.subf %sub3A_220, %sub3A_221 : f32
    %gt3A_223 = vector.broadcast %sub3A_222 : f32 to vector<784x128xf32>
    %gt3A_224 = arith.cmpf ogt, %dot_general3A_219, %gt3A_223 : vector<784x128xf32>
    %sub3A_225 = arith.constant 2.048000e+03 : f32
    %sub3A_226 = vector.broadcast %sub3A_225 : f32 to vector<784x128xf32>
    %sub3A_227 = arith.subf %dot_general3A_219, %sub3A_226 : vector<784x128xf32>
    %get3A_228 = arith.constant 0 : index
    %get3A_229 = arith.constant 0 : index
    %get3A_230 = vector.load %arg3[%get3A_228, %get3A_229] : memref<784x128xf32, #tpu.memory_space<vmem>>, vector<784x128xf32>
    %select_n3A_231 = arith.select %gt3A_224, %sub3A_227, %get3A_230 : vector<784x128xi1>, vector<784x128xf32>
    %swap3A_232 = arith.constant 0 : index
    %swap3A_233 = arith.constant 0 : index
    %swap3A_234 = vector.load %arg18[%swap3A_232, %swap3A_233] : memref<784x128xf32, #tpu.memory_space<vmem>>, vector<784x128xf32>
    tpu.vector_store %arg18[%swap3A_232, %swap3A_233], %select_n3A_231 {strides = array<i32>} : memref<784x128xf32, #tpu.memory_space<vmem>>, vector<784x128xf32>,
    return
  }
}

</mosaic_0001>

<sc_bundles>
// kernel: kernel.12.cloned.1.call-start
scs
__scs_entry_jumppad:
0x0: {  	(pc) =	sbr.rel $0x88, $3  }
0x1: {  	(tag) =	ssettag $0x0;
	lr =	simm.s32 $0x1  }
0x2: {  	[smem:$0x3F93] =	sst lr;
	_ =	strace $0xD0000000  }
0x3: {  	_ = 	snop  }
0x4: {  	_ = 	snop  }
0x5: {  	_ = 	snop  }
0x6: {  	_ = 	snop  }
0x7: {  	_ = 	snop  }
__scs_overlays_trampoline_lowered:
0x8: {  	[smem:$0x3FA2] =	sst s0  }
0x9: {  	[smem:$0x3FA3] =	sst s1  }
0xa: {  	[smem:$0x3FA4] =	sst s2  }
0xb: {  	[smem:$0x3FA5] =	sst s3  }
0xc: {  	[smem:$0x3FA6] =	sst s4  }
0xd: {  	[smem:$0x3FA7] =	sst s5  }
0xe: {  	[smem:$0x3FA8] =	sst s6  }
0xf: {  	[smem:$0x3FA9] =	sst s7  }
0x10: {  	[smem:$0x3FAA] =	sst s8  }
0x11: {  	[smem:$0x3FAB] =	sst s9;
	s0 =	simm.s32 @!p0 $0x0  }
0x12: {  	s1 =	sld [smem:$0x3F91];
	s0 =	simm.s32 @p0 $0x1  }
0x13: {  	[smem:$0x3FAC] =	sst s0;
	s0 =	simm.s32 @!p1 $0x0  }
0x14: {  	s2 =	sld [smem:$0x3F90];
	s0 =	simm.s32 @p1 $0x1  }
0x15: {  	[smem:$0x3FAD] =	sst s0;
	s0 =	simm.s32 @!p2 $0x0  }
0x16: {  	s3 =	sld [smem:$0x3FDB];
	s0 =	simm.s32 @p2 $0x1  }
0x17: {  	s4 =	simm.s32 $0x1BF5;
	[smem:$0x3FAF] =	sst s0  }
0x18: {  	s0 =	sld [smem:$0x3F92];
	_ =	swait.ge [sflag:s4], $0x0  }
0x19: {  	s7 =	sld [smem:$0x3F93]  }
0x1a: {  	s8 =	sadd.s32 $0xFFFFE003, lr  }
0x1b: {  	s9 =	sadd.s32 $0xFFFFFEF7, lr;
	s5 =	simm.s32 $0xFFFFFFFF;
	p2 =	slt.u32 s8, $0xFFFFF086  }
0x1c: {  	p1 =	slt.u32 s9, $0xF7A;
	s5 =	simm.s32 @!p2 $0x0  }
0x1d: {  	s5 =	simm.s32 @p1 $0x1;
	p0 =	seq.s32 s7, s2  }
0x1e: {  	s7 =	smul.u32 @!p0 $0xF7A, s2;
	p2 =	seq.s32 @!p0 s5, $0x0  }
0x1f: {  	s9 =	smul.u32 $0xF7A, s1;
	s8 =	simm.s32 @!p0 $0x1BF5;
	p2 =	por !p2, p0  }
0x20: {  	[sflag:s8] =	ssyncset.s32 @!p0 $0xFFFFF086;
	s6 =	sadd.s32 @!p0 s3, s7;
	s7 =	simm.s32 @!p0 $0x108  }
0x21: {  	s3 =	sadd.s32 s3, s9;
	s6 =	sadd.s32 @!p0 $0x88, s6;
	s7 =	simm.s32 @p2 $0x1082  }
0x22: {  	[simem:s7], [sflag:s8] =	dma.local @!p0 [hbm:s6], $0xF7A  }
0x23: {  	s9 =	sor.u32 $0xD0000000, s2;
	s6 =	simm.s32 $0x108;
	_ =	swait.ge @!p0 [sflag:s8], $0x0  }
0x24: {  	s3 =	sadd.s32 $0x88, s3;
	s6 =	simm.s32 @!p1 $0x1082;
	[sflag:s4] =	ssyncset.s32 $0xFFFFF086  }
0x25: {  	[simem:s6], [sflag:s4] =	dma.local [hbm:s3], $0xF7A  }
0x26: {  	[smem:$0x3F93] =	sst s1;
	(tag) =	ssettag s2;
	_ =	strace s9  }
0x27: {  	s1 =	sld [smem:$0x3FA3]  }
0x28: {  	s2 =	sld [smem:$0x3FA4]  }
0x29: {  	s4 =	sld [smem:$0x3FA6]  }
0x2a: {  	p0 =	seq.s32 s5, $0x0;
	s5 =	sld [smem:$0x3FA7]  }
0x2b: {  	s6 =	sld [smem:$0x3FA8]  }
0x2c: {  	s7 =	sld [smem:$0x3FA9]  }
0x2d: {  	s3 =	simm.s32 $0x108;
	s8 =	sld [smem:$0x3FAA]  }
0x2e: {  	s3 =	simm.s32 @!p0 $0x1082;
	s9 =	sld [smem:$0x3FAB]  }
0x2f: {  	lr =	sadd.s32 s0, s3;
	s0 =	sld [smem:$0x3FA2]  }
0x30: {  	s3 =	sld [smem:$0x3FA5]  }
0x31: {  	[smem:$0x3FAE] =	sst s10  }
0x32: {  	s10 =	sld [smem:$0x3FAC];
	_ =	sdelay $0x3  }
0x33: {  	p0 =	seq.s32 s10, $0x1;
	s10 =	sld [smem:$0x3FAE];
	_ =	sdelay $0x3  }
0x34: {  	[smem:$0x3FAE] =	sst s10  }
0x35: {  	s10 =	sld [smem:$0x3FAD];
	_ =	sdelay $0x3  }
0x36: {  	p1 =	seq.s32 s10, $0x1;
	s10 =	sld [smem:$0x3FAE];
	_ =	sdelay $0x3  }
0x37: {  	[smem:$0x3FAE] =	sst s10  }
0x38: {  	s10 =	sld [smem:$0x3FAF]  }
0x39: {  	_ = 	snop;
	(pc) =	sbr.ind lr, $3  }
0x3a: {  	_ = 	snop  }
0x3b: {  	_ = 	snop  }
0x3c: {  	p2 =	seq.s32 s10, $0x1;
	s10 =	sld [smem:$0x3FAE]  }
0x3d: {  	_ =	shalt  }
0x3e: {  	_ =	shalt  }
0x3f: {  	_ =	shalt  }
0x40: {  	_ =	shalt  }
0x41: {  	_ =	shalt  }
0x42: {  	_ =	shalt  }
0x43: {  	_ =	shalt  }
0x44: {  	_ =	shalt  }
0x45: {  	_ =	shalt  }
0x46: {  	_ =	shalt  }
0x47: {  	_ =	shalt  }
0x48: {  	_ =	shalt  }
0x49: {  	_ =	shalt  }
0x4a: {  	_ =	shalt  }
0x4b: {  	_ =	shalt  }
0x4c: {  	_ =	shalt  }
0x4d: {  	_ =	shalt  }
0x4e: {  	_ =	shalt  }
0x4f: {  	_ =	shalt  }
0x50: {  	_ =	shalt  }
0x51: {  	_ =	shalt  }
0x52: {  	_ =	shalt  }
0x53: {  	_ =	shalt  }
0x54: {  	_ =	shalt  }
0x55: {  	_ =	shalt  }
0x56: {  	_ =	shalt  }
0x57: {  	_ =	shalt  }
0x58: {  	_ =	shalt  }
0x59: {  	_ =	shalt  }
0x5a: {  	_ =	shalt  }
0x5b: {  	_ =	shalt  }
0x5c: {  	_ =	shalt  }
0x5d: {  	_ =	shalt  }
0x5e: {  	_ =	shalt  }
0x5f: {  	_ =	shalt  }
0x60: {  	_ =	shalt  }
0x61: {  	_ =	shalt  }
0x62: {  	_ =	shalt  }
0x63: {  	_ =	shalt  }
0x64: {  	_ =	shalt  }
0x65: {  	_ =	shalt  }
0x66: {  	_ =	shalt  }
0x67: {  	_ =	shalt  }
0x68: {  	_ =	shalt  }
0x69: {  	_ =	shalt  }
0x6a: {  	_ =	shalt  }
0x6b: {  	_ =	shalt  }
0x6c: {  	_ =	shalt  }
0x6d: {  	_ =	shalt  }
0x6e: {  	_ =	shalt  }
0x6f: {  	_ =	shalt  }
0x70: {  	_ =	shalt  }
0x71: {  	_ =	shalt  }
0x72: {  	_ =	shalt  }
0x73: {  	_ =	shalt  }
0x74: {  	_ =	shalt  }
0x75: {  	_ =	shalt  }
0x76: {  	_ =	shalt  }
0x77: {  	_ =	shalt  }
0x78: {  	_ =	shalt  }
0x79: {  	_ =	shalt  }
0x7a: {  	_ =	shalt  }
0x7b: {  	_ =	shalt  }
0x7c: {  	_ =	shalt  }
0x7d: {  	_ =	shalt  }
0x7e: {  	_ =	shalt  }
0x7f: {  	_ =	shalt  }
0x80: {  	_ =	shalt  }
0x81: {  	_ =	shalt  }
0x82: {  	_ =	shalt  }
0x83: {  	_ =	shalt  }
0x84: {  	_ =	shalt  }
0x85: {  	_ =	shalt  }
0x86: {  	_ =	shalt  }
0x87: {  	_ =	shalt  }
.Lfunc_end0:
.L_simem_size_0:
called_computation.2_lowered:
.L_overlay_start_0:
0x88: {  	s2 =	sld [smem:$0x3FD9]  }
0x89: {  	s3 =	sld [smem:$0x3FFE];
	_ =	sdelay $0x1  }
0x8a: {  	s1 =	srdreg.scid  }
0x8b: {  	s0 =	sand.u32 $0x1, s1  }
0x8c: {  	s14 =	sshll.u32 s0, $0xA;
	s2 =	sadd.s32 s3, s2  }
0x8d: {  	s2 =	sadd.s32 s2, s14  }
0x8e: {  	[smem:$0x3FBA] =	sst s2  }
0x8f: {  	_ = 	snop  }
0x90: {  	s2 =	sld [smem:$0x3FD0];
	_ =	sdelay $0x2  }
0x91: {  	s15 =	simm.s32 $0xB;
	s4 =	simm.s32 $0x10  }
0x92: {  	[smem:s4], [sflag:s15] =	dma.local [hbm:s2], $0x1  }
0x93: {  	_ =	swait.eq [sflag:s15], $0x1  }
0x94: {  	[sflag:s15] =	ssyncset.done $0x0  }
0x95: {  	[sflag:s15] =	ssyncadd.s32 $0xFFFFFFFF  }
0x96: {  	s16 =	sld [smem:$0x10];
	(tm) =	ssettm $0x1  }
0x97: {  	s17 =	sld [smem:$0x3FFB];
	_ =	sdelay $0x3  }
0x98: {  	_ =	strace s17  }
0x99: {  	s3 =	sld [smem:$0x3FFC];
	_ =	sdelay $0x3  }
0x9a: {  	_ =	strace s3  }
0x9b: {  	s3 =	sld [smem:$0x3FFD];
	_ =	sdelay $0x3  }
0x9c: {  	_ =	strace s3  }
0x9d: {  	_ =	strace $0x8FFFFFFF  }
0x9e: {  	s18 =	sld [smem:$0x3FDB];
	_ =	sdelay $0x1  }
0x9f: {  	s19 =	simm.s32 $_scs_section_size  }
0xa0: {  	s5 =	simm.s32 $_size__tile_overlayer_lowered;
	s6 =	simm.s32 $_tile_overlayer_lowered  }
0xa1: {  	s22 =	simm.s32 $0x1BFF;
	s21 =	sshll.u32 s6, $0x1;
	s3 =	sadd.s32 s19, s18  }
0xa2: {  	s7 =	simm.s32 $0x0;
	s20 =	sshll.u32 s5, $0x1;
	s5 =	sadd.s32 s21, s3  }
0xa3: {  	[timem:s7], [sflag:s22] =	dma.local [hbm:s5], s20  }
0xa4: {  	_ =	swait.ge [sflag:s22], s20  }
0xa5: {  	s4 =	ssub.s32 $0x0, s20;
	[sflag:s22] =	ssyncset.done $0x0  }
0xa6: {  	[sflag:s22] =	ssyncadd.s32 s4;
	_ =	sdelay $0x1  }
0xa7: {  	s23 =	simm.s32 $0x1B8B  }
0xa8: {  	_ =	swait.ge [sflag:s23], $0x1  }
0xa9: {  	[sflag:s23] =	ssyncset.done $0x0  }
0xaa: {  	s25 =	simm.s32 $0x1B8E;
	s24 =	sld [smem:$0x3FFE];
	[sflag:s23] =	ssyncadd.s32 $0xFFFFFFFF  }
0xab: {  	s26 =	simm.s32 $execute0_lowered;
	[smem:$0x3FD2] =	sst s25  }
0xac: {  	s5 =	sshll.u32 s26, $0x1;
	_ =	strace $0x8000004C;
	[dreg:$0x1] =	wrdreg $0xFFFFFFFF  }
0xad: {  	s28 =	simm.s32 $_size_execute0_lowered;
	s3 =	sadd.s32 s3, s5;
	[dreg:$0x0] =	wrdreg $0x0  }
0xae: {  	s5 =	sshll.u32 s28, $0x1;
	[dreg:$0x2] =	wrdreg s3  }
0xaf: {  	[dreg:$0x3] =	wrdreg s5  }
0xb0: {  	[dreg:$0x4] =	wrdreg $0xC0  }
0xb1: {  	_ =	task [dreg:s7], $0x5FFFF  }
0xb2: {  	[dreg:$0x1] =	wrdreg $0xFFFFFFFF  }
0xb3: {  	[dreg:$0x0] =	wrdreg $0x60  }
0xb4: {  	[dreg:$0x2] =	wrdreg s16  }
0xb5: {  	[dreg:$0x3] =	wrdreg s24  }
0xb6: {  	[dreg:$0x4] =	wrdreg $0x9  }
0xb7: {  	_ =	task.clear_ibuf [dreg:s7], $0x5FFFF;
	_ =	strace $0x9000004C  }
0xb8: {  	s29 =	simm.s32 $0x9;
	_ =	strace $0x8000004E  }
0xb9: {  	_ =	swait.ge [sflag:s29], $0x1  }
0xba: {  	[sflag:s29] =	ssyncadd.s32 $0xFFFFFFFF  }
0xbb: {  	_ =	strace $0x9000004E  }
0xbc: {  	_ =	sfence  }
0xbd: {  	s30 =	sld [smem:$0x0];
	_ =	sdelay $0x2  }
0xbe: {  	s31 =	sshll.u32 s1, $0xD;
	s1 =	sshrl.u32 s1, $0x2  }
0xbf: {  	s3 =	sand.u32 $0x4000, s31;
	s1 =	sadd.s32 s1, s30  }
0xc0: {  	s0 =	sor.u32 s3, s0;
	s1 =	sshll.u32 s1, $0x11  }
0xc1: {  	s0 =	sor.u32 s1, s0  }
0xc2: {  	s0 =	sadd.s32 $0x8F2B, s0  }
0xc3: {  	[sflag:s0] =	ssyncadd.remote.s32 $0x1  }
0xc4: {  	_ =	sfence.sel $0xFFFF  }
0xc5: {  	[dreg:$0x0] =	wrdreg $0xFFFFFFFF;
	(pc) =	sbr.abs _section_cstart, $3  }
0xc6: {  	[dreg:$0x1] =	wrdreg $0xFFFFFFFF  }
0xc7: {  	_ =	task.clear_ibuf [dreg:s7], $0x2FFFF;
	_ =	strace $0x9FFFFFFF  }
0xc8: {  	(tm) =	ssettm $0x7FFFFFFF  }
0xc9: {  	_ =	shalt  }
tec
execute0_lowered:
.L_overlay_start_1:
0x0: {  	(tag) =	ssettag $0x1  }
0x1: {  	s1 =	srdreg.scid  }
0x2: {  	s0 =	stileid.u32;
	s8 =	sand.u32 $0x1, s1  }
0x3: {  	s2 =	rddreg [dreg:$0x0];
	s31 =	sshll.u32 s0, $0x7;
	s3 =	sshll.u32 s8, $0x6  }
0x4: {  	s6 =	rddreg [dreg:$0x1];
	s7 =	sor.u32 s3, s31  }
0x5: {  	s1 =	rddreg [dreg:$0x2];
	s3 =	simm.s32 $0x0;
	s4 =	sshrl.u32 s7, $0x3  }
0x6: {  	s5 =	simm.s32 $0x2;
	[smem:$0x7FF] =	sst s3;
	s4 =	sadd.s32 s4, s6  }
0x7: {  	s8 =	ssub.s32 $0x2, s8;
	_ =	strace $0x8000004D;
	s4 =	sadd.s32 $0xB200, s4  }
0x8: {  	[tilespmem:s3], [sflag:$0x2] =	stream.linear.gather [hbm4b:s4+s3], $0x40, $0x38;
	[tilespmem:$0x2080] =	vst v63  }
0x9: {  	s9 =	sshrl.u32 s8, $0x1;
	s7 =	sshll.u32 s7, $0x4;
	_ =	swait.ge [sflag:s5], $0x40  }
0xa: {  	s8 =	ssub.s32 s8, s9;
	s6 =	sadd.s32 s7, s6;
	[sflag:s5] =	ssyncset.done $0x0  }
0xb: {  	s7 =	simm.s32 $0x80;
	s6 =	sadd.s32 $0x3200, s6;
	[sflag:s5] =	ssyncadd.s32 $0xFFFFFFC0  }
0xc: {  	[tilespmem:s7], [sflag:$0x2] =	stream.linear.gather [hbm4b:s6+s3], $0x2000, $0x38;
	[tilespmem:$0x2080] =	vst v63  }
0xd: {  	s10 =	smax.u32 s8, $0x1;
	_ =	swait.ge [sflag:s5], $0x2000  }
0xe: {  	p0 =	sne.s32 s10, $0x1;
	[sflag:s5] =	ssyncset.done $0x0  }
.Ltmp0:
0xf: {  	[sflag:s5] =	ssyncadd.s32 $0xFFFFE000;
	(ifvalue) =	ssetifvalue $0xFFFFFFFF;
	(pc) =	sbr.rel @!p0 .LBB2_2-.Ltmp0, $4  }
0x10: {  	s9 =	simm.s32 $0x40;
	s8 =	simm.s32 $0x1;
	(ifvalue) =	ssetifvalue $0xFFFFFFFF  }
0x11: {  	[hbm4b:s2+s9] =	stream.indirect.scatter [tilespmem:s7], [sflag:$0x1], $0x80, s3, s9, $0x40b8;
	[tilespmem:$0x2080] =	vst v63  }
0x12: {  	_ =	swait.ge [sflag:s8], $0x2000  }
0x13: {  	s10 =	sadd.s32 $0xFFFFFFFF, s10;
	[sflag:s8] =	ssyncset.done $0x0  }
.LBB2_1:
0x14: {  	p0 =	sne.s32 s10, $0x1;
	s10 =	sadd.s32 $0xFFFFFFFF, s10;
	[sflag:s8] =	ssyncadd.s32 $0xFFFFE000  }
0x15: {  	[tilespmem:s3], [sflag:$0x2] =	stream.linear.gather [hbm4b:s4+s3], $0x40, $0x38;
	[tilespmem:$0x2080] =	vst v63  }
0x16: {  	_ =	swait.ge [sflag:s5], $0x40  }
0x17: {  	[sflag:s5] =	ssyncset.done $0x0  }
0x18: {  	[sflag:s5] =	ssyncadd.s32 $0xFFFFFFC0  }
0x19: {  	[tilespmem:s7], [sflag:$0x2] =	stream.linear.gather [hbm4b:s6+s3], $0x2000, $0x38;
	[tilespmem:$0x2080] =	vst v63  }
0x1a: {  	_ =	swait.ge [sflag:s5], $0x2000  }
0x1b: {  	[sflag:s5] =	ssyncset.done $0x0  }
0x1c: {  	[sflag:s5] =	ssyncadd.s32 $0xFFFFE000  }
.Ltmp1:
0x1d: {  	(ifvalue) =	ssetifvalue $0xFFFFFFFF;
	(pc) =	sbr.rel @p0 .LBB2_1-.Ltmp1, $4  }
0x1e: {  	(ifvalue) =	ssetifvalue $0xFFFFFFFF  }
0x1f: {  	[hbm4b:s2+s9] =	stream.indirect.scatter [tilespmem:s7], [sflag:$0x1], $0x80, s3, s9, $0x40b8;
	[tilespmem:$0x2080] =	vst v63  }
0x20: {  	_ =	swait.ge [sflag:s8], $0x2000  }
0x21: {  	[sflag:s8] =	ssyncset.done $0x0  }
.LBB2_2:
0x22: {  	[sflag:s8] =	ssyncadd.s32 $0xFFFFE000  }
0x23: {  	_ =	sfence.sel $0x180000  }
0x24: {  	[bflag:$0x0] =	sbarrier.arrive $0xFFFF  }
0x25: {  	p0 =	sne.s32 s0, $0x0;
	_ =	strace $0x9000004D  }
0x26: {  	s0 =	sadd.s32 @!p0 $0x100000, s1;
	[bflag:$0x2] =	sbarrier.arrive $0xFFFF  }
0x27: {  	[sflag:s0] =	ssyncadd.tile.s32 @!p0 $0x1;
	_ =	shalt  }
.Lfunc_end2:
_tile_overlayer_lowered:
.L_overlay_start_2:
0x28: {  	(tag) =	ssettag $0x2  }
0x29: {  	s0 =	rddreg [dreg:$0x0];
	s2 =	stileid.u32  }
0x2a: {  	s1 =	rddreg [dreg:$0x1];
	p0 =	sne.s32 s2, $0x0  }
0x2b: {  	s3 =	rddreg [dreg:$0x2];
	[bflag:$0x3] =	sbarrier.arrive $0xFFFF;
	s2 =	simm.s32 @!p0 $0x1C02  }
0x2c: {  	[timem:s3], [sflag:s2] =	dma.local @!p0 [hbm:s0], s1  }
0x2d: {  	s0 =	simm.s32 @!p0 $0x2  }
0x2e: {  	_ =	swait.ge @!p0 [sflag:s0], s1  }
0x2f: {  	s1 =	ssub.s32 @!p0 $0x0, s1;
	[sflag:s0] =	ssyncset.done @!p0 $0x0  }
0x30: {  	[sflag:s0] =	ssyncadd.s32 @!p0 s1  }
0x31: {  	[bflag:$0x3] =	sbarrier.arrive $0xFFFF  }
0x32: {  	_ =	shalt  }

// kernel: kernel.6.cloned.1.call-start
scs
__scs_entry_jumppad:
0x0: {  	(pc) =	sbr.rel $0x88, $3  }
0x1: {  	(tag) =	ssettag $0x0;
	lr =	simm.s32 $0x1  }
0x2: {  	[smem:$0x3F93] =	sst lr;
	_ =	strace $0xD0000000  }
0x3: {  	_ = 	snop  }
0x4: {  	_ = 	snop  }
0x5: {  	_ = 	snop  }
0x6: {  	_ = 	snop  }
0x7: {  	_ = 	snop  }
__scs_overlays_trampoline_lowered:
0x8: {  	[smem:$0x3FA2] =	sst s0  }
0x9: {  	[smem:$0x3FA3] =	sst s1  }
0xa: {  	[smem:$0x3FA4] =	sst s2  }
0xb: {  	[smem:$0x3FA5] =	sst s3  }
0xc: {  	[smem:$0x3FA6] =	sst s4  }
0xd: {  	[smem:$0x3FA7] =	sst s5  }
0xe: {  	[smem:$0x3FA8] =	sst s6  }
0xf: {  	[smem:$0x3FA9] =	sst s7  }
0x10: {  	[smem:$0x3FAA] =	sst s8  }
0x11: {  	[smem:$0x3FAB] =	sst s9;
	s0 =	simm.s32 @!p0 $0x0  }
0x12: {  	s1 =	sld [smem:$0x3F91];
	s0 =	simm.s32 @p0 $0x1  }
0x13: {  	[smem:$0x3FAC] =	sst s0;
	s0 =	simm.s32 @!p1 $0x0  }
0x14: {  	s2 =	sld [smem:$0x3F90];
	s0 =	simm.s32 @p1 $0x1  }
0x15: {  	[smem:$0x3FAD] =	sst s0;
	s0 =	simm.s32 @!p2 $0x0  }
0x16: {  	s3 =	sld [smem:$0x3FDB];
	s0 =	simm.s32 @p2 $0x1  }
0x17: {  	s4 =	simm.s32 $0x1BF5;
	[smem:$0x3FAF] =	sst s0  }
0x18: {  	s0 =	sld [smem:$0x3F92];
	_ =	swait.ge [sflag:s4], $0x0  }
0x19: {  	s7 =	sld [smem:$0x3F93]  }
0x1a: {  	s8 =	sadd.s32 $0xFFFFE003, lr  }
0x1b: {  	s9 =	sadd.s32 $0xFFFFFEF7, lr;
	s5 =	simm.s32 $0xFFFFFFFF;
	p2 =	slt.u32 s8, $0xFFFFF086  }
0x1c: {  	p1 =	slt.u32 s9, $0xF7A;
	s5 =	simm.s32 @!p2 $0x0  }
0x1d: {  	s5 =	simm.s32 @p1 $0x1;
	p0 =	seq.s32 s7, s2  }
0x1e: {  	s7 =	smul.u32 @!p0 $0xF7A, s2;
	p2 =	seq.s32 @!p0 s5, $0x0  }
0x1f: {  	s9 =	smul.u32 $0xF7A, s1;
	s8 =	simm.s32 @!p0 $0x1BF5;
	p2 =	por !p2, p0  }
0x20: {  	[sflag:s8] =	ssyncset.s32 @!p0 $0xFFFFF086;
	s6 =	sadd.s32 @!p0 s3, s7;
	s7 =	simm.s32 @!p0 $0x108  }
0x21: {  	s3 =	sadd.s32 s3, s9;
	s6 =	sadd.s32 @!p0 $0x88, s6;
	s7 =	simm.s32 @p2 $0x1082  }
0x22: {  	[simem:s7], [sflag:s8] =	dma.local @!p0 [hbm:s6], $0xF7A  }
0x23: {  	s9 =	sor.u32 $0xD0000000, s2;
	s6 =	simm.s32 $0x108;
	_ =	swait.ge @!p0 [sflag:s8], $0x0  }
0x24: {  	s3 =	sadd.s32 $0x88, s3;
	s6 =	simm.s32 @!p1 $0x1082;
	[sflag:s4] =	ssyncset.s32 $0xFFFFF086  }
0x25: {  	[simem:s6], [sflag:s4] =	dma.local [hbm:s3], $0xF7A  }
0x26: {  	[smem:$0x3F93] =	sst s1;
	(tag) =	ssettag s2;
	_ =	strace s9  }
0x27: {  	s1 =	sld [smem:$0x3FA3]  }
0x28: {  	s2 =	sld [smem:$0x3FA4]  }
0x29: {  	s4 =	sld [smem:$0x3FA6]  }
0x2a: {  	p0 =	seq.s32 s5, $0x0;
	s5 =	sld [smem:$0x3FA7]  }
0x2b: {  	s6 =	sld [smem:$0x3FA8]  }
0x2c: {  	s7 =	sld [smem:$0x3FA9]  }
0x2d: {  	s3 =	simm.s32 $0x108;
	s8 =	sld [smem:$0x3FAA]  }
0x2e: {  	s3 =	simm.s32 @!p0 $0x1082;
	s9 =	sld [smem:$0x3FAB]  }
0x2f: {  	lr =	sadd.s32 s0, s3;
	s0 =	sld [smem:$0x3FA2]  }
0x30: {  	s3 =	sld [smem:$0x3FA5]  }
0x31: {  	[smem:$0x3FAE] =	sst s10  }
0x32: {  	s10 =	sld [smem:$0x3FAC];
	_ =	sdelay $0x3  }
0x33: {  	p0 =	seq.s32 s10, $0x1;
	s10 =	sld [smem:$0x3FAE];
	_ =	sdelay $0x3  }
0x34: {  	[smem:$0x3FAE] =	sst s10  }
0x35: {  	s10 =	sld [smem:$0x3FAD];
	_ =	sdelay $0x3  }
0x36: {  	p1 =	seq.s32 s10, $0x1;
	s10 =	sld [smem:$0x3FAE];
	_ =	sdelay $0x3  }
0x37: {  	[smem:$0x3FAE] =	sst s10  }
0x38: {  	s10 =	sld [smem:$0x3FAF]  }
0x39: {  	_ = 	snop;
	(pc) =	sbr.ind lr, $3  }
0x3a: {  	_ = 	snop  }
0x3b: {  	_ = 	snop  }
0x3c: {  	p2 =	seq.s32 s10, $0x1;
	s10 =	sld [smem:$0x3FAE]  }
0x3d: {  	_ =	shalt  }
0x3e: {  	_ =	shalt  }
0x3f: {  	_ =	shalt  }
0x40: {  	_ =	shalt  }
0x41: {  	_ =	shalt  }
0x42: {  	_ =	shalt  }
0x43: {  	_ =	shalt  }
0x44: {  	_ =	shalt  }
0x45: {  	_ =	shalt  }
0x46: {  	_ =	shalt  }
0x47: {  	_ =	shalt  }
0x48: {  	_ =	shalt  }
0x49: {  	_ =	shalt  }
0x4a: {  	_ =	shalt  }
0x4b: {  	_ =	shalt  }
0x4c: {  	_ =	shalt  }
0x4d: {  	_ =	shalt  }
0x4e: {  	_ =	shalt  }
0x4f: {  	_ =	shalt  }
0x50: {  	_ =	shalt  }
0x51: {  	_ =	shalt  }
0x52: {  	_ =	shalt  }
0x53: {  	_ =	shalt  }
0x54: {  	_ =	shalt  }
0x55: {  	_ =	shalt  }
0x56: {  	_ =	shalt  }
0x57: {  	_ =	shalt  }
0x58: {  	_ =	shalt  }
0x59: {  	_ =	shalt  }
0x5a: {  	_ =	shalt  }
0x5b: {  	_ =	shalt  }
0x5c: {  	_ =	shalt  }
0x5d: {  	_ =	shalt  }
0x5e: {  	_ =	shalt  }
0x5f: {  	_ =	shalt  }
0x60: {  	_ =	shalt  }
0x61: {  	_ =	shalt  }
0x62: {  	_ =	shalt  }
0x63: {  	_ =	shalt  }
0x64: {  	_ =	shalt  }
0x65: {  	_ =	shalt  }
0x66: {  	_ =	shalt  }
0x67: {  	_ =	shalt  }
0x68: {  	_ =	shalt  }
0x69: {  	_ =	shalt  }
0x6a: {  	_ =	shalt  }
0x6b: {  	_ =	shalt  }
0x6c: {  	_ =	shalt  }
0x6d: {  	_ =	shalt  }
0x6e: {  	_ =	shalt  }
0x6f: {  	_ =	shalt  }
0x70: {  	_ =	shalt  }
0x71: {  	_ =	shalt  }
0x72: {  	_ =	shalt  }
0x73: {  	_ =	shalt  }
0x74: {  	_ =	shalt  }
0x75: {  	_ =	shalt  }
0x76: {  	_ =	shalt  }
0x77: {  	_ =	shalt  }
0x78: {  	_ =	shalt  }
0x79: {  	_ =	shalt  }
0x7a: {  	_ =	shalt  }
0x7b: {  	_ =	shalt  }
0x7c: {  	_ =	shalt  }
0x7d: {  	_ =	shalt  }
0x7e: {  	_ =	shalt  }
0x7f: {  	_ =	shalt  }
0x80: {  	_ =	shalt  }
0x81: {  	_ =	shalt  }
0x82: {  	_ =	shalt  }
0x83: {  	_ =	shalt  }
0x84: {  	_ =	shalt  }
0x85: {  	_ =	shalt  }
0x86: {  	_ =	shalt  }
0x87: {  	_ =	shalt  }
.Lfunc_end0:
.L_simem_size_0:
called_computation_lowered:
.L_overlay_start_0:
0x88: {  	s2 =	sld [smem:$0x3FD9]  }
0x89: {  	s3 =	sld [smem:$0x3FFE];
	_ =	sdelay $0x1  }
0x8a: {  	s1 =	srdreg.scid  }
0x8b: {  	s0 =	sand.u32 $0x1, s1  }
0x8c: {  	s16 =	sshll.u32 s0, $0xA;
	s2 =	sadd.s32 s3, s2  }
0x8d: {  	s2 =	sadd.s32 s2, s16  }
0x8e: {  	[smem:$0x3FBA] =	sst s2  }
0x8f: {  	_ = 	snop  }
0x90: {  	s17 =	sld [smem:$0x3FD0];
	_ =	sdelay $0x2  }
0x91: {  	s4 =	simm.s32 $0xB;
	s5 =	simm.s32 $0x10;
	s2 =	sld [smem:$0x3FC5]  }
0x92: {  	[smem:s5], [sflag:s4] =	dma.local [hbm:s17], $0x1  }
0x93: {  	_ =	swait.eq [sflag:s4], $0x1  }
0x94: {  	[sflag:s4] =	ssyncset.done $0x0  }
0x95: {  	[sflag:s4] =	ssyncadd.s32 $0xFFFFFFFF  }
0x96: {  	s18 =	sld [smem:$0x10];
	(tm) =	ssettm $0x1  }
0x97: {  	s19 =	sld [smem:$0x3FFB];
	_ =	sdelay $0x3  }
0x98: {  	_ =	strace s19  }
0x99: {  	s3 =	sld [smem:$0x3FFC];
	_ =	sdelay $0x3  }
0x9a: {  	_ =	strace s3  }
0x9b: {  	s3 =	sld [smem:$0x3FFD];
	_ =	sdelay $0x3  }
0x9c: {  	_ =	strace s3  }
0x9d: {  	_ =	strace $0x8FFFFFFF  }
0x9e: {  	s20 =	sld [smem:$0x3FDB];
	_ =	sdelay $0x1  }
0x9f: {  	s21 =	simm.s32 $_scs_section_size  }
0xa0: {  	s6 =	simm.s32 $_size__tile_overlayer_lowered;
	s7 =	simm.s32 $_tile_overlayer_lowered  }
0xa1: {  	s8 =	simm.s32 $0x1BFF;
	s22 =	sshll.u32 s7, $0x1;
	s5 =	sadd.s32 s21, s20  }
0xa2: {  	s23 =	simm.s32 $0x0;
	s6 =	sshll.u32 s6, $0x1;
	s7 =	sadd.s32 s22, s5  }
0xa3: {  	[timem:s23], [sflag:s8] =	dma.local [hbm:s7], s6  }
0xa4: {  	_ =	swait.ge [sflag:s8], s6  }
0xa5: {  	s6 =	ssub.s32 $0x0, s6;
	[sflag:s8] =	ssyncset.done $0x0  }
0xa6: {  	[sflag:s8] =	ssyncadd.s32 s6;
	_ =	sdelay $0x1  }
0xa7: {  	s24 =	simm.s32 $0x1B8B  }
0xa8: {  	_ =	swait.ge [sflag:s24], $0x1  }
0xa9: {  	[sflag:s24] =	ssyncset.done $0x0  }
0xaa: {  	[sflag:s24] =	ssyncadd.s32 $0xFFFFFFFF  }
0xab: {  	s6 =	sld [smem:$0x0]  }
0xac: {  	s7 =	sand.u32 $0xFFFFFFFE, s1  }
0xad: {  	p0 =	sne.s32 s1, s7  }
0xae: {  	s7 =	sshll.u32 @p0 s7, $0xE  }
0xaf: {  	s7 =	sadd.s32 @p0 $0x11B8D, s7;
	s8 =	sshll.u32 @p0 s6, $0x11  }
0xb0: {  	s7 =	sor.u32 @p0 s8, s7  }
0xb1: {  	[sflag:s7] =	ssyncadd.remote.s32 @p0 $0x1;
	_ =	sdelay $0x1  }
0xb2: {  	s7 =	simm.s32 @p0 $0x1B8D  }
0xb3: {  	_ =	swait.eq @p0 [sflag:s7], $0x1  }
0xb4: {  	[sflag:s7] =	ssyncadd.s32 @p0 $0xFFFFFFFF  }
0xb5: {  	s8 =	sshll.u32 @!p0 s1, $0xE  }
0xb6: {  	s8 =	sor.u32 @!p0 $0x4000, s8;
	s7 =	simm.s32 @!p0 $0x1B8D  }
0xb7: {  	s6 =	sshll.u32 @!p0 s6, $0x11;
	s8 =	sadd.s32 @!p0 $0x11B8D, s8;
	_ =	swait.eq @!p0 [sflag:s7], $0x1  }
0xb8: {  	s6 =	sor.u32 @!p0 s6, s8;
	[sflag:s7] =	ssyncadd.s32 @!p0 $0xFFFFFFFF  }
0xb9: {  	s25 =	simm.s32 $0x1B8E;
	[sflag:s6] =	ssyncadd.remote.s32 @!p0 $0x1  }
0xba: {  	s26 =	simm.s32 $execute0_lowered;
	[smem:$0x3FD2] =	sst s25  }
0xbb: {  	s6 =	sshll.u32 s26, $0x1;
	_ =	strace $0x80000049;
	[dreg:$0x1] =	wrdreg $0xFFFFFFFF  }
0xbc: {  	s28 =	simm.s32 $_size_execute0_lowered;
	s5 =	sadd.s32 s5, s6;
	[dreg:$0x0] =	wrdreg $0x0  }
0xbd: {  	s6 =	sshll.u32 s28, $0x1;
	[dreg:$0x2] =	wrdreg s5  }
0xbe: {  	[dreg:$0x3] =	wrdreg s6  }
0xbf: {  	[dreg:$0x4] =	wrdreg $0xC0  }
0xc0: {  	_ =	task [dreg:s23], $0x5FFFF  }
0xc1: {  	[dreg:$0x1] =	wrdreg $0xFFFFFFFF  }
0xc2: {  	[dreg:$0x0] =	wrdreg $0x60  }
0xc3: {  	[dreg:$0x2] =	wrdreg s2  }
0xc4: {  	[dreg:$0x3] =	wrdreg s18  }
0xc5: {  	[dreg:$0x4] =	wrdreg $0x9  }
0xc6: {  	_ =	task.clear_ibuf [dreg:s23], $0x5FFFF;
	_ =	strace $0x90000049  }
0xc7: {  	s29 =	simm.s32 $0x9;
	_ =	strace $0x8000004B  }
0xc8: {  	_ =	swait.ge [sflag:s29], $0x1  }
0xc9: {  	[sflag:s29] =	ssyncadd.s32 $0xFFFFFFFF  }
0xca: {  	_ =	strace $0x9000004B  }
0xcb: {  	_ =	sfence  }
0xcc: {  	s30 =	sld [smem:$0x0];
	_ =	sdelay $0x2  }
0xcd: {  	s31 =	sshll.u32 s1, $0xD;
	s1 =	sshrl.u32 s1, $0x2  }
0xce: {  	s4 =	sand.u32 $0x4000, s31;
	s1 =	sadd.s32 s1, s30  }
0xcf: {  	s0 =	sor.u32 s4, s0;
	s1 =	sshll.u32 s1, $0x11  }
0xd0: {  	s0 =	sor.u32 s1, s0  }
0xd1: {  	s0 =	sadd.s32 $0x8F2B, s0  }
0xd2: {  	[sflag:s0] =	ssyncadd.remote.s32 $0x1  }
0xd3: {  	_ =	sfence.sel $0xFFFF  }
0xd4: {  	[dreg:$0x0] =	wrdreg $0xFFFFFFFF;
	(pc) =	sbr.abs _section_cstart, $3  }
0xd5: {  	[dreg:$0x1] =	wrdreg $0xFFFFFFFF  }
0xd6: {  	_ =	task.clear_ibuf [dreg:s23], $0x2FFFF;
	_ =	strace $0x9FFFFFFF  }
0xd7: {  	(tm) =	ssettm $0x7FFFFFFF  }
tec
execute0_lowered:
.L_overlay_start_1:
0x0: {  	(tag) =	ssettag $0x1  }
0x1: {  	s0 =	srdreg.scid  }
0x2: {  	s1 =	stileid.u32;
	s3 =	rddreg [dreg:$0x0]  }
0x3: {  	s4 =	rddreg [dreg:$0x1];
	s2 =	simm.s32 $0x0;
	s9 =	simm.s32 $0x3  }
0x4: {  	s10 =	simm.s32 $0x4;
	s0 =	sand.u32 $0x1, s0;
	s1 =	sshll.u32 s1, $0x1  }
0x5: {  	[smem:$0x7FF] =	sst s2;
	s28 =	sadd.s32 $0x180E80, s3;
	s29 =	sadd.s32 $0x180E80, s4  }
0x6: {  	s30 =	sadd.s32 $0x182700, s3;
	s31 =	sadd.s32 $0x182700, s4;
	s1 =	sor.u32 s0, s1  }
0x7: {  	s0 =	ssub.s32 $0x2, s0;
	_ =	strace $0x8000004A;
	s7 =	smul.u32 $0xC380, s1  }
0x8: {  	s5 =	smul.u32 $0x61C00, s1;
	s6 =	sshrl.u32 s0, $0x1;
	p0 =	seq.s32 s1, $0x1F  }
0x9: {  	s1 =	sadd.s32 $0x183F80, s3;
	s6 =	ssub.s32 s0, s6;
	s8 =	sadd.s32 s3, s7  }
0xa: {  	s5 =	sshrl.u32 s5, $0x3;
	s7 =	sadd.s32 s4, s7;
	[dreg:$0x3] =	wrdreg s8  }
0xb: {  	s16 =	sadd.s32 $0x1880, s5;
	[dreg:$0x4] =	wrdreg s7;
	s18 =	sadd.s32 $0x3100, s5  }
0xc: {  	s19 =	sadd.s32 $0x4980, s5;
	s23 =	sadd.s32 $0x6200, s5;
	s24 =	sadd.s32 $0x7A80, s5  }
0xd: {  	s26 =	sadd.s32 $0x9300, s5;
	s5 =	sadd.s32 $0xAB80, s5;
	s7 =	simm.s32 $0xC400  }
0xe: {  	s8 =	simm.s32 $0x2;
	s17 =	sadd.s32 s3, s16;
	s0 =	sadd.s32 s4, s16  }
0xf: {  	s20 =	sadd.s32 s3, s18;
	s21 =	sadd.s32 s3, s19;
	s22 =	sadd.s32 s4, s19  }
0x10: {  	s25 =	sadd.s32 s3, s23;
	s12 =	sadd.s32 s4, s23;
	[dreg:$0x5] =	wrdreg s17  }
0x11: {  	s13 =	sadd.s32 s3, s24;
	s14 =	sadd.s32 s4, s24;
	[dreg:$0x6] =	wrdreg s0  }
0x12: {  	s15 =	sadd.s32 s3, s26;
	s16 =	sadd.s32 s4, s26;
	[dreg:$0x7] =	wrdreg s20  }
0x13: {  	s19 =	sadd.s32 $0x17AC80, s3;
	s23 =	sadd.s32 $0x17DD80, s3;
	[dreg:$0x9] =	wrdreg s21  }
0x14: {  	s24 =	sadd.s32 $0x17DD80, s4;
	s26 =	sadd.s32 $0x17F600, s4;
	[dreg:$0xa] =	wrdreg s22  }
.Ltmp0:
0x15: {  	s0 =	sadd.s32 s4, s18;
	[dreg:$0xb] =	wrdreg s25;
	(pc) =	sbr.rel .LBB2_1-.Ltmp0, $4  }
0x16: {  	s17 =	sadd.s32 s3, s5;
	s18 =	sadd.s32 s4, s5;
	s20 =	sadd.s32 $0x17AC80, s4  }
0x17: {  	s21 =	sadd.s32 $0x17C500, s3;
	s22 =	sadd.s32 $0x17C500, s4;
	s25 =	sadd.s32 $0x17F600, s3  }
0x18: {  	s5 =	smax.u32 s6, $0x1;
	s6 =	simm.s32 $0x1;
	[dreg:$0x8] =	wrdreg s0  }
0x19: {  	s0 =	sadd.s32 $0x185800, s3;
	s3 =	sadd.s32 $0x183F80, s4;
	s4 =	sadd.s32 $0x185800, s4  }
.LBB2_3:
0x1a: {  	[tilespmem:s2], [sflag:$0x1] =	stream.linear.gather [hbm4b:s19+s2], $0xC400, $0x38;
	[tilespmem:$0x18800] =	vst v63  }
0x1b: {  	_ =	swait.ge [sflag:s6], $0xC400  }
0x1c: {  	[sflag:s6] =	ssyncset.done $0x0  }
0x1d: {  	[sflag:s6] =	ssyncadd.s32 $0xFFFF3C00  }
0x1e: {  	[hbm4b:s20+s2] =	stream.linear.scatter [tilespmem:s2], [sflag:$0x3], $0xC400, $0x38;
	[tilespmem:$0x18800] =	vst v63  }
0x1f: {  	_ = 	snop  }
0x20: {  	[tilespmem:s7], [sflag:$0x2] =	stream.linear.gather [hbm4b:s21+s2], $0xC400, $0x38;
	[tilespmem:$0x18800] =	vst v63  }
0x21: {  	_ =	swait.ge [sflag:s8], $0xC400  }
0x22: {  	[sflag:s8] =	ssyncset.done $0x0  }
0x23: {  	[sflag:s8] =	ssyncadd.s32 $0xFFFF3C00  }
0x24: {  	[hbm4b:s22+s2] =	stream.linear.scatter [tilespmem:s7], [sflag:$0x4], $0xC400, $0x38;
	[tilespmem:$0x18800] =	vst v63  }
0x25: {  	_ =	swait.ge [sflag:s9], $0xC400  }
0x26: {  	[sflag:s9] =	ssyncset.done $0x0  }
0x27: {  	[sflag:s9] =	ssyncadd.s32 $0xFFFF3C00  }
0x28: {  	[tilespmem:s2], [sflag:$0x1] =	stream.linear.gather [hbm4b:s23+s2], $0xC400, $0x38;
	[tilespmem:$0x18800] =	vst v63  }
0x29: {  	_ =	swait.ge [sflag:s6], $0xC400  }
0x2a: {  	[sflag:s6] =	ssyncset.done $0x0  }
0x2b: {  	[sflag:s6] =	ssyncadd.s32 $0xFFFF3C00  }
0x2c: {  	[hbm4b:s24+s2] =	stream.linear.scatter [tilespmem:s2], [sflag:$0x3], $0xC400, $0x38;
	[tilespmem:$0x18800] =	vst v63  }
0x2d: {  	_ =	swait.ge [sflag:s10], $0xC400  }
0x2e: {  	[sflag:s10] =	ssyncset.done $0x0  }
0x2f: {  	[sflag:s10] =	ssyncadd.s32 $0xFFFF3C00  }
0x30: {  	[tilespmem:s7], [sflag:$0x2] =	stream.linear.gather [hbm4b:s25+s2], $0xC400, $0x38;
	[tilespmem:$0x18800] =	vst v63  }
0x31: {  	_ =	swait.ge [sflag:s8], $0xC400  }
0x32: {  	[sflag:s8] =	ssyncset.done $0x0  }
0x33: {  	[sflag:s8] =	ssyncadd.s32 $0xFFFF3C00  }
0x34: {  	[hbm4b:s26+s2] =	stream.linear.scatter [tilespmem:s7], [sflag:$0x4], $0xC400, $0x38;
	[tilespmem:$0x18800] =	vst v63  }
0x35: {  	_ =	swait.ge [sflag:s9], $0xC400  }
0x36: {  	[sflag:s9] =	ssyncset.done $0x0  }
0x37: {  	[sflag:s9] =	ssyncadd.s32 $0xFFFF3C00  }
0x38: {  	[tilespmem:s2], [sflag:$0x1] =	stream.linear.gather [hbm4b:s28+s2], $0xC400, $0x38;
	[tilespmem:$0x18800] =	vst v63  }
0x39: {  	_ =	swait.ge [sflag:s6], $0xC400  }
0x3a: {  	[sflag:s6] =	ssyncset.done $0x0  }
0x3b: {  	[sflag:s6] =	ssyncadd.s32 $0xFFFF3C00  }
0x3c: {  	[hbm4b:s29+s2] =	stream.linear.scatter [tilespmem:s2], [sflag:$0x3], $0xC400, $0x38;
	[tilespmem:$0x18800] =	vst v63  }
0x3d: {  	_ =	swait.ge [sflag:s10], $0xC400  }
0x3e: {  	[sflag:s10] =	ssyncset.done $0x0  }
0x3f: {  	[sflag:s10] =	ssyncadd.s32 $0xFFFF3C00  }
0x40: {  	[tilespmem:s7], [sflag:$0x2] =	stream.linear.gather [hbm4b:s30+s2], $0xC400, $0x38;
	[tilespmem:$0x18800] =	vst v63  }
0x41: {  	_ =	swait.ge [sflag:s8], $0xC400  }
0x42: {  	[sflag:s8] =	ssyncset.done $0x0  }
0x43: {  	[sflag:s8] =	ssyncadd.s32 $0xFFFF3C00  }
0x44: {  	[hbm4b:s31+s2] =	stream.linear.scatter [tilespmem:s7], [sflag:$0x4], $0xC400, $0x38;
	[tilespmem:$0x18800] =	vst v63  }
0x45: {  	_ =	swait.ge [sflag:s9], $0xC400  }
0x46: {  	[sflag:s9] =	ssyncset.done $0x0  }
0x47: {  	[sflag:s9] =	ssyncadd.s32 $0xFFFF3C00  }
0x48: {  	[tilespmem:s2], [sflag:$0x1] =	stream.linear.gather [hbm4b:s1+s2], $0xC400, $0x38;
	[tilespmem:$0x18800] =	vst v63  }
0x49: {  	_ =	swait.ge [sflag:s6], $0xC400  }
0x4a: {  	[sflag:s6] =	ssyncset.done $0x0  }
0x4b: {  	[sflag:s6] =	ssyncadd.s32 $0xFFFF3C00  }
0x4c: {  	[hbm4b:s3+s2] =	stream.linear.scatter [tilespmem:s2], [sflag:$0x3], $0xC400, $0x38;
	[tilespmem:$0x18800] =	vst v63  }
0x4d: {  	_ =	swait.ge [sflag:s10], $0xC400  }
0x4e: {  	[sflag:s10] =	ssyncset.done $0x0  }
0x4f: {  	[sflag:s10] =	ssyncadd.s32 $0xFFFF3C00  }
0x50: {  	[tilespmem:s7], [sflag:$0x2] =	stream.linear.gather [hbm4b:s0+s2], $0x9000, $0x38;
	[tilespmem:$0x18800] =	vst v63  }
0x51: {  	_ =	swait.ge [sflag:s8], $0x9000  }
0x52: {  	[sflag:s8] =	ssyncset.done $0x0  }
0x53: {  	[sflag:s8] =	ssyncadd.s32 $0xFFFF7000  }
0x54: {  	[hbm4b:s4+s2] =	stream.linear.scatter [tilespmem:s7], [sflag:$0x4], $0x9000, $0x38;
	[tilespmem:$0x18800] =	vst v63  }
0x55: {  	_ =	swait.ge [sflag:s9], $0xC400  }
0x56: {  	[sflag:s9] =	ssyncset.done $0x0  }
0x57: {  	[sflag:s9] =	ssyncadd.s32 $0xFFFF3C00  }
0x58: {  	_ =	swait.ge [sflag:s10], $0x9000  }
0x59: {  	[sflag:s10] =	ssyncset.done $0x0  }
0x5a: {  	[sflag:s10] =	ssyncadd.s32 $0xFFFF7000  }
.LBB2_4:
0x5b: {  	s5 =	sadd.s32 $0xFFFFFFFF, s5  }
0x5c: {  	p1 =	sne.s32 s5, $0x0  }
.Ltmp1:
0x5d: {  	_ = 	snop;
	(pc) =	sbr.rel @!p1 .LBB2_5-.Ltmp1, $1  }
0x5e: {  	_ =	sdelay $0x3  }
.LBB2_1:
.Ltmp2:
0x5f: {  	(pc) =	sbr.rel @p0 .LBB2_3-.Ltmp2, $1  }
0x60: {  	_ =	sdelay $0x3  }
0x61: {  	s11 =	rddreg [dreg:$0x3]  }
0x62: {  	[tilespmem:s2], [sflag:$0x1] =	stream.linear.gather [hbm4b:s11+s2], $0xC400, $0x38;
	[tilespmem:$0x18800] =	vst v63  }
0x63: {  	_ =	swait.ge [sflag:s6], $0xC400  }
0x64: {  	[sflag:s6] =	ssyncset.done $0x0  }
0x65: {  	s11 =	rddreg [dreg:$0x4];
	[sflag:s6] =	ssyncadd.s32 $0xFFFF3C00  }
0x66: {  	[hbm4b:s11+s2] =	stream.linear.scatter [tilespmem:s2], [sflag:$0x3], $0xC400, $0x38;
	[tilespmem:$0x18800] =	vst v63  }
0x67: {  	s11 =	rddreg [dreg:$0x5]  }
0x68: {  	[tilespmem:s7], [sflag:$0x2] =	stream.linear.gather [hbm4b:s11+s2], $0xC400, $0x38;
	[tilespmem:$0x18800] =	vst v63  }
0x69: {  	_ =	swait.ge [sflag:s8], $0xC400  }
0x6a: {  	[sflag:s8] =	ssyncset.done $0x0  }
0x6b: {  	s11 =	rddreg [dreg:$0x6];
	[sflag:s8] =	ssyncadd.s32 $0xFFFF3C00  }
0x6c: {  	[hbm4b:s11+s2] =	stream.linear.scatter [tilespmem:s7], [sflag:$0x4], $0xC400, $0x38;
	[tilespmem:$0x18800] =	vst v63  }
0x6d: {  	_ =	swait.ge [sflag:s9], $0xC400  }
0x6e: {  	[sflag:s9] =	ssyncset.done $0x0  }
0x6f: {  	s11 =	rddreg [dreg:$0x7];
	[sflag:s9] =	ssyncadd.s32 $0xFFFF3C00  }
0x70: {  	[tilespmem:s2], [sflag:$0x1] =	stream.linear.gather [hbm4b:s11+s2], $0xC400, $0x38;
	[tilespmem:$0x18800] =	vst v63  }
0x71: {  	_ =	swait.ge [sflag:s6], $0xC400  }
0x72: {  	[sflag:s6] =	ssyncset.done $0x0  }
0x73: {  	s11 =	rddreg [dreg:$0x8];
	[sflag:s6] =	ssyncadd.s32 $0xFFFF3C00  }
0x74: {  	[hbm4b:s11+s2] =	stream.linear.scatter [tilespmem:s2], [sflag:$0x3], $0xC400, $0x38;
	[tilespmem:$0x18800] =	vst v63  }
0x75: {  	_ =	swait.ge [sflag:s10], $0xC400  }
0x76: {  	[sflag:s10] =	ssyncset.done $0x0  }
0x77: {  	s11 =	rddreg [dreg:$0x9];
	[sflag:s10] =	ssyncadd.s32 $0xFFFF3C00  }
0x78: {  	[tilespmem:s7], [sflag:$0x2] =	stream.linear.gather [hbm4b:s11+s2], $0xC400, $0x38;
	[tilespmem:$0x18800] =	vst v63  }
0x79: {  	_ =	swait.ge [sflag:s8], $0xC400  }
0x7a: {  	[sflag:s8] =	ssyncset.done $0x0  }
0x7b: {  	s11 =	rddreg [dreg:$0xa];
	[sflag:s8] =	ssyncadd.s32 $0xFFFF3C00  }
0x7c: {  	[hbm4b:s11+s2] =	stream.linear.scatter [tilespmem:s7], [sflag:$0x4], $0xC400, $0x38;
	[tilespmem:$0x18800] =	vst v63  }
0x7d: {  	_ =	swait.ge [sflag:s9], $0xC400  }
0x7e: {  	[sflag:s9] =	ssyncset.done $0x0  }
0x7f: {  	s11 =	rddreg [dreg:$0xb];
	[sflag:s9] =	ssyncadd.s32 $0xFFFF3C00  }
0x80: {  	[tilespmem:s2], [sflag:$0x1] =	stream.linear.gather [hbm4b:s11+s2], $0xC400, $0x38;
	[tilespmem:$0x18800] =	vst v63  }
0x81: {  	_ =	swait.ge [sflag:s6], $0xC400  }
0x82: {  	[sflag:s6] =	ssyncset.done $0x0  }
0x83: {  	[sflag:s6] =	ssyncadd.s32 $0xFFFF3C00  }
0x84: {  	[hbm4b:s12+s2] =	stream.linear.scatter [tilespmem:s2], [sflag:$0x3], $0xC400, $0x38;
	[tilespmem:$0x18800] =	vst v63  }
0x85: {  	_ =	swait.ge [sflag:s10], $0xC400  }
0x86: {  	[sflag:s10] =	ssyncset.done $0x0  }
0x87: {  	[sflag:s10] =	ssyncadd.s32 $0xFFFF3C00  }
0x88: {  	[tilespmem:s7], [sflag:$0x2] =	stream.linear.gather [hbm4b:s13+s2], $0xC400, $0x38;
	[tilespmem:$0x18800] =	vst v63  }
0x89: {  	_ =	swait.ge [sflag:s8], $0xC400  }
0x8a: {  	[sflag:s8] =	ssyncset.done $0x0  }
0x8b: {  	[sflag:s8] =	ssyncadd.s32 $0xFFFF3C00  }
0x8c: {  	[hbm4b:s14+s2] =	stream.linear.scatter [tilespmem:s7], [sflag:$0x4], $0xC400, $0x38;
	[tilespmem:$0x18800] =	vst v63  }
0x8d: {  	_ =	swait.ge [sflag:s9], $0xC400  }
0x8e: {  	[sflag:s9] =	ssyncset.done $0x0  }
0x8f: {  	[sflag:s9] =	ssyncadd.s32 $0xFFFF3C00  }
0x90: {  	[tilespmem:s2], [sflag:$0x1] =	stream.linear.gather [hbm4b:s15+s2], $0xC400, $0x38;
	[tilespmem:$0x18800] =	vst v63  }
0x91: {  	_ =	swait.ge [sflag:s6], $0xC400  }
0x92: {  	[sflag:s6] =	ssyncset.done $0x0  }
0x93: {  	[sflag:s6] =	ssyncadd.s32 $0xFFFF3C00  }
0x94: {  	[hbm4b:s16+s2] =	stream.linear.scatter [tilespmem:s2], [sflag:$0x3], $0xC400, $0x38;
	[tilespmem:$0x18800] =	vst v63  }
0x95: {  	_ =	swait.ge [sflag:s10], $0xC400  }
0x96: {  	[sflag:s10] =	ssyncset.done $0x0  }
0x97: {  	[sflag:s10] =	ssyncadd.s32 $0xFFFF3C00  }
0x98: {  	[tilespmem:s7], [sflag:$0x2] =	stream.linear.gather [hbm4b:s17+s2], $0xC000, $0x38;
	[tilespmem:$0x18800] =	vst v63  }
0x99: {  	_ =	swait.ge [sflag:s8], $0xC000  }
0x9a: {  	[sflag:s8] =	ssyncset.done $0x0  }
0x9b: {  	[sflag:s8] =	ssyncadd.s32 $0xFFFF4000  }
0x9c: {  	[hbm4b:s18+s2] =	stream.linear.scatter [tilespmem:s7], [sflag:$0x4], $0xC000, $0x38;
	[tilespmem:$0x18800] =	vst v63  }
0x9d: {  	_ =	swait.ge [sflag:s9], $0xC400  }
.Ltmp3:
0x9e: {  	[sflag:s9] =	ssyncset.done $0x0;
	(pc) =	sbr.rel .LBB2_4-.Ltmp3, $4  }
0x9f: {  	[sflag:s9] =	ssyncadd.s32 $0xFFFF3C00  }
0xa0: {  	_ =	swait.ge [sflag:s10], $0xC000  }
0xa1: {  	[sflag:s10] =	ssyncset.done $0x0  }
0xa2: {  	[sflag:s10] =	ssyncadd.s32 $0xFFFF4000  }
.LBB2_5:
0xa3: {  	_ =	sfence.sel $0x180000  }
0xa4: {  	[bflag:$0x0] =	sbarrier.arrive $0xFFFF  }
0xa5: {  	_ =	strace $0x9000004A  }
0xa6: {  	s0 =	stileid.u32;
	[bflag:$0x2] =	sbarrier.arrive $0xFFFF  }
0xa7: {  	p0 =	sne.s32 s0, $0x0;
	s0 =	rddreg [dreg:$0x2]  }
0xa8: {  	s0 =	sadd.s32 @!p0 $0x100000, s0  }
0xa9: {  	[sflag:s0] =	ssyncadd.tile.s32 @!p0 $0x1;
	_ =	shalt  }
.Lfunc_end2:
_tile_overlayer_lowered:
.L_overlay_start_2:
0xaa: {  	(tag) =	ssettag $0x2  }
0xab: {  	s0 =	rddreg [dreg:$0x0];
	s2 =	stileid.u32  }
0xac: {  	s1 =	rddreg [dreg:$0x1];
	p0 =	sne.s32 s2, $0x0  }
0xad: {  	s3 =	rddreg [dreg:$0x2];
	[bflag:$0x3] =	sbarrier.arrive $0xFFFF;
	s2 =	simm.s32 @!p0 $0x1C05  }
0xae: {  	[timem:s3], [sflag:s2] =	dma.local @!p0 [hbm:s0], s1  }
0xaf: {  	s0 =	simm.s32 @!p0 $0x5  }
0xb0: {  	_ =	swait.ge @!p0 [sflag:s0], s1  }
0xb1: {  	s1 =	ssub.s32 @!p0 $0x0, s1;
	[sflag:s0] =	ssyncset.done @!p0 $0x0  }
0xb2: {  	[sflag:s0] =	ssyncadd.s32 @!p0 s1  }
0xb3: {  	[bflag:$0x3] =	sbarrier.arrive $0xFFFF  }
0xb4: {  	_ =	shalt  }

// kernel: kernel.9.cloned.1.call-start
scs
__scs_entry_jumppad:
0x0: {  	(pc) =	sbr.rel $0x88, $3  }
0x1: {  	(tag) =	ssettag $0x0;
	lr =	simm.s32 $0x1  }
0x2: {  	[smem:$0x3F93] =	sst lr;
	_ =	strace $0xD0000000  }
0x3: {  	_ = 	snop  }
0x4: {  	_ = 	snop  }
0x5: {  	_ = 	snop  }
0x6: {  	_ = 	snop  }
0x7: {  	_ = 	snop  }
__scs_overlays_trampoline_lowered:
0x8: {  	[smem:$0x3FA2] =	sst s0  }
0x9: {  	[smem:$0x3FA3] =	sst s1  }
0xa: {  	[smem:$0x3FA4] =	sst s2  }
0xb: {  	[smem:$0x3FA5] =	sst s3  }
0xc: {  	[smem:$0x3FA6] =	sst s4  }
0xd: {  	[smem:$0x3FA7] =	sst s5  }
0xe: {  	[smem:$0x3FA8] =	sst s6  }
0xf: {  	[smem:$0x3FA9] =	sst s7  }
0x10: {  	[smem:$0x3FAA] =	sst s8  }
0x11: {  	[smem:$0x3FAB] =	sst s9;
	s0 =	simm.s32 @!p0 $0x0  }
0x12: {  	s1 =	sld [smem:$0x3F91];
	s0 =	simm.s32 @p0 $0x1  }
0x13: {  	[smem:$0x3FAC] =	sst s0;
	s0 =	simm.s32 @!p1 $0x0  }
0x14: {  	s2 =	sld [smem:$0x3F90];
	s0 =	simm.s32 @p1 $0x1  }
0x15: {  	[smem:$0x3FAD] =	sst s0;
	s0 =	simm.s32 @!p2 $0x0  }
0x16: {  	s3 =	sld [smem:$0x3FDB];
	s0 =	simm.s32 @p2 $0x1  }
0x17: {  	s4 =	simm.s32 $0x1BF5;
	[smem:$0x3FAF] =	sst s0  }
0x18: {  	s0 =	sld [smem:$0x3F92];
	_ =	swait.ge [sflag:s4], $0x0  }
0x19: {  	s7 =	sld [smem:$0x3F93]  }
0x1a: {  	s8 =	sadd.s32 $0xFFFFE003, lr  }
0x1b: {  	s9 =	sadd.s32 $0xFFFFFEF7, lr;
	s5 =	simm.s32 $0xFFFFFFFF;
	p2 =	slt.u32 s8, $0xFFFFF086  }
0x1c: {  	p1 =	slt.u32 s9, $0xF7A;
	s5 =	simm.s32 @!p2 $0x0  }
0x1d: {  	s5 =	simm.s32 @p1 $0x1;
	p0 =	seq.s32 s7, s2  }
0x1e: {  	s7 =	smul.u32 @!p0 $0xF7A, s2;
	p2 =	seq.s32 @!p0 s5, $0x0  }
0x1f: {  	s9 =	smul.u32 $0xF7A, s1;
	s8 =	simm.s32 @!p0 $0x1BF5;
	p2 =	por !p2, p0  }
0x20: {  	[sflag:s8] =	ssyncset.s32 @!p0 $0xFFFFF086;
	s6 =	sadd.s32 @!p0 s3, s7;
	s7 =	simm.s32 @!p0 $0x108  }
0x21: {  	s3 =	sadd.s32 s3, s9;
	s6 =	sadd.s32 @!p0 $0x88, s6;
	s7 =	simm.s32 @p2 $0x1082  }
0x22: {  	[simem:s7], [sflag:s8] =	dma.local @!p0 [hbm:s6], $0xF7A  }
0x23: {  	s9 =	sor.u32 $0xD0000000, s2;
	s6 =	simm.s32 $0x108;
	_ =	swait.ge @!p0 [sflag:s8], $0x0  }
0x24: {  	s3 =	sadd.s32 $0x88, s3;
	s6 =	simm.s32 @!p1 $0x1082;
	[sflag:s4] =	ssyncset.s32 $0xFFFFF086  }
0x25: {  	[simem:s6], [sflag:s4] =	dma.local [hbm:s3], $0xF7A  }
0x26: {  	[smem:$0x3F93] =	sst s1;
	(tag) =	ssettag s2;
	_ =	strace s9  }
0x27: {  	s1 =	sld [smem:$0x3FA3]  }
0x28: {  	s2 =	sld [smem:$0x3FA4]  }
0x29: {  	s4 =	sld [smem:$0x3FA6]  }
0x2a: {  	p0 =	seq.s32 s5, $0x0;
	s5 =	sld [smem:$0x3FA7]  }
0x2b: {  	s6 =	sld [smem:$0x3FA8]  }
0x2c: {  	s7 =	sld [smem:$0x3FA9]  }
0x2d: {  	s3 =	simm.s32 $0x108;
	s8 =	sld [smem:$0x3FAA]  }
0x2e: {  	s3 =	simm.s32 @!p0 $0x1082;
	s9 =	sld [smem:$0x3FAB]  }
0x2f: {  	lr =	sadd.s32 s0, s3;
	s0 =	sld [smem:$0x3FA2]  }
0x30: {  	s3 =	sld [smem:$0x3FA5]  }
0x31: {  	[smem:$0x3FAE] =	sst s10  }
0x32: {  	s10 =	sld [smem:$0x3FAC];
	_ =	sdelay $0x3  }
0x33: {  	p0 =	seq.s32 s10, $0x1;
	s10 =	sld [smem:$0x3FAE];
	_ =	sdelay $0x3  }
0x34: {  	[smem:$0x3FAE] =	sst s10  }
0x35: {  	s10 =	sld [smem:$0x3FAD];
	_ =	sdelay $0x3  }
0x36: {  	p1 =	seq.s32 s10, $0x1;
	s10 =	sld [smem:$0x3FAE];
	_ =	sdelay $0x3  }
0x37: {  	[smem:$0x3FAE] =	sst s10  }
0x38: {  	s10 =	sld [smem:$0x3FAF]  }
0x39: {  	_ = 	snop;
	(pc) =	sbr.ind lr, $3  }
0x3a: {  	_ = 	snop  }
0x3b: {  	_ = 	snop  }
0x3c: {  	p2 =	seq.s32 s10, $0x1;
	s10 =	sld [smem:$0x3FAE]  }
0x3d: {  	_ =	shalt  }
0x3e: {  	_ =	shalt  }
0x3f: {  	_ =	shalt  }
0x40: {  	_ =	shalt  }
0x41: {  	_ =	shalt  }
0x42: {  	_ =	shalt  }
0x43: {  	_ =	shalt  }
0x44: {  	_ =	shalt  }
0x45: {  	_ =	shalt  }
0x46: {  	_ =	shalt  }
0x47: {  	_ =	shalt  }
0x48: {  	_ =	shalt  }
0x49: {  	_ =	shalt  }
0x4a: {  	_ =	shalt  }
0x4b: {  	_ =	shalt  }
0x4c: {  	_ =	shalt  }
0x4d: {  	_ =	shalt  }
0x4e: {  	_ =	shalt  }
0x4f: {  	_ =	shalt  }
0x50: {  	_ =	shalt  }
0x51: {  	_ =	shalt  }
0x52: {  	_ =	shalt  }
0x53: {  	_ =	shalt  }
0x54: {  	_ =	shalt  }
0x55: {  	_ =	shalt  }
0x56: {  	_ =	shalt  }
0x57: {  	_ =	shalt  }
0x58: {  	_ =	shalt  }
0x59: {  	_ =	shalt  }
0x5a: {  	_ =	shalt  }
0x5b: {  	_ =	shalt  }
0x5c: {  	_ =	shalt  }
0x5d: {  	_ =	shalt  }
0x5e: {  	_ =	shalt  }
0x5f: {  	_ =	shalt  }
0x60: {  	_ =	shalt  }
0x61: {  	_ =	shalt  }
0x62: {  	_ =	shalt  }
0x63: {  	_ =	shalt  }
0x64: {  	_ =	shalt  }
0x65: {  	_ =	shalt  }
0x66: {  	_ =	shalt  }
0x67: {  	_ =	shalt  }
0x68: {  	_ =	shalt  }
0x69: {  	_ =	shalt  }
0x6a: {  	_ =	shalt  }
0x6b: {  	_ =	shalt  }
0x6c: {  	_ =	shalt  }
0x6d: {  	_ =	shalt  }
0x6e: {  	_ =	shalt  }
0x6f: {  	_ =	shalt  }
0x70: {  	_ =	shalt  }
0x71: {  	_ =	shalt  }
0x72: {  	_ =	shalt  }
0x73: {  	_ =	shalt  }
0x74: {  	_ =	shalt  }
0x75: {  	_ =	shalt  }
0x76: {  	_ =	shalt  }
0x77: {  	_ =	shalt  }
0x78: {  	_ =	shalt  }
0x79: {  	_ =	shalt  }
0x7a: {  	_ =	shalt  }
0x7b: {  	_ =	shalt  }
0x7c: {  	_ =	shalt  }
0x7d: {  	_ =	shalt  }
0x7e: {  	_ =	shalt  }
0x7f: {  	_ =	shalt  }
0x80: {  	_ =	shalt  }
0x81: {  	_ =	shalt  }
0x82: {  	_ =	shalt  }
0x83: {  	_ =	shalt  }
0x84: {  	_ =	shalt  }
0x85: {  	_ =	shalt  }
0x86: {  	_ =	shalt  }
0x87: {  	_ =	shalt  }
.Lfunc_end0:
.L_simem_size_0:
called_computation.1_lowered:
.L_overlay_start_0:
0x88: {  	s2 =	sld [smem:$0x3FD9]  }
0x89: {  	s3 =	sld [smem:$0x3FFE];
	_ =	sdelay $0x1  }
0x8a: {  	s1 =	srdreg.scid  }
0x8b: {  	s0 =	sand.u32 $0x1, s1  }
0x8c: {  	s14 =	sshll.u32 s0, $0xA;
	s2 =	sadd.s32 s3, s2  }
0x8d: {  	s2 =	sadd.s32 s2, s14  }
0x8e: {  	[smem:$0x3FBA] =	sst s2  }
0x8f: {  	_ = 	snop  }
0x90: {  	s2 =	sld [smem:$0x3FD0];
	_ =	sdelay $0x2  }
0x91: {  	s4 =	simm.s32 $0xB;
	s5 =	simm.s32 $0x10;
	s15 =	sld [smem:$0x3FC5]  }
0x92: {  	[smem:s5], [sflag:s4] =	dma.local [hbm:s2], $0x1  }
0x93: {  	_ =	swait.eq [sflag:s4], $0x1  }
0x94: {  	[sflag:s4] =	ssyncset.done $0x0  }
0x95: {  	[sflag:s4] =	ssyncadd.s32 $0xFFFFFFFF  }
0x96: {  	s16 =	sld [smem:$0x11];
	(tm) =	ssettm $0x1  }
0x97: {  	s17 =	sld [smem:$0x3FFB];
	_ =	sdelay $0x3  }
0x98: {  	_ =	strace s17  }
0x99: {  	s4 =	sld [smem:$0x3FFC];
	_ =	sdelay $0x3  }
0x9a: {  	_ =	strace s4  }
0x9b: {  	s4 =	sld [smem:$0x3FFD];
	_ =	sdelay $0x3  }
0x9c: {  	_ =	strace s4  }
0x9d: {  	_ =	strace $0x8FFFFFFF  }
0x9e: {  	s18 =	sld [smem:$0x3FDB];
	_ =	sdelay $0x1  }
0x9f: {  	s19 =	simm.s32 $_scs_section_size  }
0xa0: {  	s6 =	simm.s32 $_size__tile_overlayer_lowered;
	s7 =	simm.s32 $_tile_overlayer_lowered  }
0xa1: {  	s22 =	simm.s32 $0x1BFF;
	s21 =	sshll.u32 s7, $0x1;
	s4 =	sadd.s32 s19, s18  }
0xa2: {  	s8 =	simm.s32 $0x0;
	s20 =	sshll.u32 s6, $0x1;
	s6 =	sadd.s32 s21, s4  }
0xa3: {  	[timem:s8], [sflag:s22] =	dma.local [hbm:s6], s20  }
0xa4: {  	_ =	swait.ge [sflag:s22], s20  }
0xa5: {  	s5 =	ssub.s32 $0x0, s20;
	[sflag:s22] =	ssyncset.done $0x0  }
0xa6: {  	[sflag:s22] =	ssyncadd.s32 s5;
	_ =	sdelay $0x1  }
0xa7: {  	s23 =	simm.s32 $0x1B8B  }
0xa8: {  	_ =	swait.ge [sflag:s23], $0x1  }
0xa9: {  	[sflag:s23] =	ssyncset.done $0x0  }
0xaa: {  	s25 =	simm.s32 $0x1B8E;
	s24 =	sld [smem:$0x3FFE];
	[sflag:s23] =	ssyncadd.s32 $0xFFFFFFFF  }
0xab: {  	s26 =	simm.s32 $execute0_lowered;
	[smem:$0x3FD2] =	sst s25  }
0xac: {  	s6 =	sshll.u32 s26, $0x1;
	_ =	strace $0x80000046;
	[dreg:$0x1] =	wrdreg $0xFFFFFFFF  }
0xad: {  	s28 =	simm.s32 $_size_execute0_lowered;
	s4 =	sadd.s32 s4, s6;
	[dreg:$0x0] =	wrdreg $0x0  }
0xae: {  	s6 =	sshll.u32 s28, $0x1;
	[dreg:$0x2] =	wrdreg s4  }
0xaf: {  	[dreg:$0x3] =	wrdreg s6  }
0xb0: {  	[dreg:$0x4] =	wrdreg $0xC0  }
0xb1: {  	_ =	task [dreg:s8], $0x5FFFF  }
0xb2: {  	[dreg:$0x1] =	wrdreg $0xFFFFFFFF  }
0xb3: {  	[dreg:$0x0] =	wrdreg $0x60  }
0xb4: {  	[dreg:$0x2] =	wrdreg s15  }
0xb5: {  	[dreg:$0x3] =	wrdreg s16  }
0xb6: {  	[dreg:$0x4] =	wrdreg s24  }
0xb7: {  	[dreg:$0x5] =	wrdreg $0xA  }
0xb8: {  	_ =	task.clear_ibuf [dreg:s8], $0x6FFFF;
	_ =	strace $0x90000046  }
0xb9: {  	s29 =	simm.s32 $0xA;
	_ =	strace $0x80000048  }
0xba: {  	_ =	swait.ge [sflag:s29], $0x1  }
0xbb: {  	[sflag:s29] =	ssyncadd.s32 $0xFFFFFFFF  }
0xbc: {  	_ =	strace $0x90000048  }
0xbd: {  	_ =	sfence  }
0xbe: {  	s30 =	sld [smem:$0x0];
	_ =	sdelay $0x2  }
0xbf: {  	s31 =	sshll.u32 s1, $0xD;
	s1 =	sshrl.u32 s1, $0x2  }
0xc0: {  	s3 =	sand.u32 $0x4000, s31;
	s1 =	sadd.s32 s1, s30  }
0xc1: {  	s0 =	sor.u32 s3, s0;
	s1 =	sshll.u32 s1, $0x11  }
0xc2: {  	s0 =	sor.u32 s1, s0  }
0xc3: {  	s0 =	sadd.s32 $0x8F2B, s0  }
0xc4: {  	[sflag:s0] =	ssyncadd.remote.s32 $0x1  }
0xc5: {  	_ =	sfence.sel $0xFFFF  }
0xc6: {  	[dreg:$0x0] =	wrdreg $0xFFFFFFFF;
	(pc) =	sbr.abs _section_cstart, $3  }
0xc7: {  	[dreg:$0x1] =	wrdreg $0xFFFFFFFF  }
0xc8: {  	_ =	task.clear_ibuf [dreg:s8], $0x2FFFF;
	_ =	strace $0x9FFFFFFF  }
0xc9: {  	(tm) =	ssettm $0x7FFFFFFF  }
tec
execute0_lowered:
.L_overlay_start_1:
0x0: {  	(tag) =	ssettag $0x1  }
0x1: {  	s1 =	rddreg [dreg:$0x0];
	s2 =	srdreg.scid  }
0x2: {  	s4 =	rddreg [dreg:$0x1];
	s0 =	stileid.u32  }
0x3: {  	s9 =	rddreg [dreg:$0x2];
	s3 =	simm.s32 $0x0;
	s6 =	sand.u32 $0x1, s2  }
0x4: {  	s5 =	sshll.u32 s0, $0x7;
	s2 =	rddreg [dreg:$0x3];
	s7 =	sshll.u32 s6, $0x6  }
0x5: {  	s8 =	simm.s32 $0x1;
	[smem:$0x7FF] =	sst s3;
	s10 =	sor.u32 s7, s5  }
0x6: {  	_ =	strace $0x80000047;
	s11 =	ssub.s32 $0x2, s6;
	s5 =	sshrl.u32 s10, $0x3  }
0x7: {  	s6 =	simm.s32 $0x40;
	s5 =	sadd.s32 s4, s5;
	s4 =	simm.s32 $0x2  }
0x8: {  	[tilespmem:s3], [sflag:$0x2] =	stream.linear.gather [hbm4b:s5+s3], $0x40, $0x38;
	[tilespmem:$0x2080] =	vst v63  }
0x9: {  	s7 =	simm.s32 $0x80;
	s12 =	sshrl.u32 s11, $0x1;
	_ =	swait.ge [sflag:s4], $0x40  }
0xa: {  	s10 =	sshll.u32 s10, $0x4;
	s31 =	ssub.s32 s11, s12;
	[sflag:s4] =	ssyncset.done $0x0  }
0xb: {  	s9 =	sadd.s32 s10, s9;
	s10 =	smax.u32 s31, $0x1;
	[sflag:s4] =	ssyncadd.s32 $0xFFFFFFC0  }
0xc: {  	[tilespmem:s7], [sflag:$0x1] =	stream.indirect.gather [hbm4b:s1+s6], $0x80, s3, s6, $0xb8;
	[tilespmem:$0x2080] =	vst v63  }
0xd: {  	p0 =	sne.s32 s10, $0x1;
	_ =	swait.ge [sflag:s8], $0x2000  }
.Ltmp0:
0xe: {  	[sflag:s8] =	ssyncset.done $0x0;
	(pc) =	sbr.rel @!p0 .LBB2_2-.Ltmp0, $4  }
0xf: {  	s9 =	sadd.s32 $0x3200, s9;
	[sflag:s8] =	ssyncadd.s32 $0xFFFFE000  }
0x10: {  	[hbm4b:s9+s3] =	stream.linear.scatter [tilespmem:s7], [sflag:$0x2], $0x2000, $0x38;
	[tilespmem:$0x2080] =	vst v63  }
0x11: {  	_ =	swait.ge [sflag:s4], $0x2000  }
0x12: {  	s10 =	sadd.s32 $0xFFFFFFFF, s10;
	[sflag:s4] =	ssyncset.done $0x0  }
.LBB2_1:
0x13: {  	p0 =	sne.s32 s10, $0x1;
	s10 =	sadd.s32 $0xFFFFFFFF, s10;
	[sflag:s4] =	ssyncadd.s32 $0xFFFFE000  }
0x14: {  	[tilespmem:s3], [sflag:$0x2] =	stream.linear.gather [hbm4b:s5+s3], $0x40, $0x38;
	[tilespmem:$0x2080] =	vst v63  }
0x15: {  	_ =	swait.ge [sflag:s4], $0x40  }
0x16: {  	[sflag:s4] =	ssyncset.done $0x0  }
0x17: {  	[sflag:s4] =	ssyncadd.s32 $0xFFFFFFC0  }
0x18: {  	[tilespmem:s7], [sflag:$0x1] =	stream.indirect.gather [hbm4b:s1+s6], $0x80, s3, s6, $0xb8;
	[tilespmem:$0x2080] =	vst v63  }
0x19: {  	_ =	swait.ge [sflag:s8], $0x2000  }
.Ltmp1:
0x1a: {  	[sflag:s8] =	ssyncset.done $0x0;
	(pc) =	sbr.rel @p0 .LBB2_1-.Ltmp1, $4  }
0x1b: {  	[sflag:s8] =	ssyncadd.s32 $0xFFFFE000  }
0x1c: {  	[hbm4b:s9+s3] =	stream.linear.scatter [tilespmem:s7], [sflag:$0x2], $0x2000, $0x38;
	[tilespmem:$0x2080] =	vst v63  }
0x1d: {  	_ =	swait.ge [sflag:s4], $0x2000  }
0x1e: {  	[sflag:s4] =	ssyncset.done $0x0  }
.LBB2_2:
0x1f: {  	[sflag:s4] =	ssyncadd.s32 $0xFFFFE000  }
0x20: {  	_ =	sfence.sel $0x180000  }
0x21: {  	[bflag:$0x0] =	sbarrier.arrive $0xFFFF  }
0x22: {  	p0 =	sne.s32 s0, $0x0;
	_ =	strace $0x90000047  }
0x23: {  	s0 =	sadd.s32 @!p0 $0x100000, s2;
	[bflag:$0x2] =	sbarrier.arrive $0xFFFF  }
0x24: {  	[sflag:s0] =	ssyncadd.tile.s32 @!p0 $0x1;
	_ =	shalt  }
.Lfunc_end2:
_tile_overlayer_lowered:
.L_overlay_start_2:
0x25: {  	(tag) =	ssettag $0x2  }
0x26: {  	s0 =	rddreg [dreg:$0x0];
	s2 =	stileid.u32  }
0x27: {  	s1 =	rddreg [dreg:$0x1];
	p0 =	sne.s32 s2, $0x0  }
0x28: {  	s3 =	rddreg [dreg:$0x2];
	[bflag:$0x3] =	sbarrier.arrive $0xFFFF;
	s2 =	simm.s32 @!p0 $0x1C02  }
0x29: {  	[timem:s3], [sflag:s2] =	dma.local @!p0 [hbm:s0], s1  }
0x2a: {  	s0 =	simm.s32 @!p0 $0x2  }
0x2b: {  	_ =	swait.ge @!p0 [sflag:s0], s1  }
0x2c: {  	s1 =	ssub.s32 @!p0 $0x0, s1;
	[sflag:s0] =	ssyncset.done @!p0 $0x0  }
0x2d: {  	[sflag:s0] =	ssyncadd.s32 @!p0 s1  }
0x2e: {  	[bflag:$0x3] =	sbarrier.arrive $0xFFFF  }
0x2f: {  	_ =	shalt  }

</sc_bundles>
